<compile_context>
chip_gen: v7x
topology: tpu7x:2x2x1
jax: 0.10.2.dev20260603
libtpu: 0.0.44.dev20260713+nightly
codegen_flags: <defaults>
</compile_context>

<pallas_src>
import functools

import jax
import jax.numpy as jnp
from jax import lax
from jax.experimental import pallas as pl
from jax.experimental.pallas import tpu as pltpu
from jax.experimental.pallas import tpu_sc as plsc

N = 10000
D = 256
DH = 128
H = 512
E = 160000
NC = 2
NS = 16
EC = 128
PADN = 10240
EPAD = 163840
AEPW = EPAD // NS
ACPT = AEPW // EC
DEPW = EPAD // (NC * NS)
DCPT = DEPW // EC
RPT = PADN // NS
DGW = 16
BLK = 2560

_mesh = plsc.VectorSubcoreMesh(core_axis_name="c", subcore_axis_name="s")


def _deg_body(dstf_hbm, ones_hbm, zer_hbm, deg_hbm, di_v, ones_v, deg_sh):
    c = lax.axis_index("c")
    s = lax.axis_index("s")
    pltpu.sync_copy(ones_hbm, ones_v)
    pltpu.sync_copy(zer_hbm.at[pl.ds(s * RPT, RPT)],
                    deg_sh.at[pl.ds(s * RPT, RPT)])
    plsc.subcore_barrier()

    base = (c * NS + s) * DEPW

    def sc(k, _):
        pltpu.sync_copy(dstf_hbm.at[pl.ds(base + k * EC, EC)], di_v)
        pltpu.sync_copy(ones_v, deg_sh.at[di_v], add=True)
        return 0

    lax.fori_loop(0, DCPT, sc, 0)
    plsc.subcore_barrier()
    pltpu.sync_copy(deg_sh.at[pl.ds(s * RPT, RPT)],
                    deg_hbm.at[c, pl.ds(s * RPT, RPT)])


_deg_call = functools.partial(
    pl.kernel,
    out_type=jax.ShapeDtypeStruct((NC, PADN, DGW), jnp.float32),
    mesh=_mesh,
    scratch_types=[
        pltpu.VMEM((EC,), jnp.int32),
        pltpu.VMEM((EC, DGW), jnp.float32),
        pltpu.VMEM_SHARED((PADN, DGW), jnp.float32),
    ],
)(_deg_body)


def _dis(deg_ref):
    return lax.rsqrt(deg_ref[0][:, :1] + deg_ref[1][:, :1] + 1.0)


def _scale_body(x_ref, deg_ref, o_ref):
    y = x_ref[...] * _dis(deg_ref)
    o_ref[0] = y[:, :DH]
    o_ref[1] = y[:, DH:]


_scale_call = pl.pallas_call(
    _scale_body,
    grid=(PADN // BLK,),
    in_specs=[
        pl.BlockSpec((BLK, D), lambda i: (i, 0)),
        pl.BlockSpec((NC, BLK, DGW), lambda i: (0, i, 0)),
    ],
    out_specs=pl.BlockSpec((NC, BLK, DH), lambda i: (0, i, 0)),
    out_shape=jax.ShapeDtypeStruct((NC, PADN, DH), jnp.float32),
)


def _mid_body(s1_ref, deg_ref, w1_ref, b1_ref, w2_ref, y2_ref):
    dis = _dis(deg_ref)
    agg = jnp.concatenate([s1_ref[0], s1_ref[1]], axis=1) * dis
    h1 = jnp.maximum(
        jnp.dot(agg, w1_ref[...], preferred_element_type=jnp.float32)
        + b1_ref[...], 0.0)
    t = jnp.dot(h1, w2_ref[...], preferred_element_type=jnp.float32) * dis
    y2_ref[0] = t[:, :DH]
    y2_ref[1] = t[:, DH:]


_mid_call = pl.pallas_call(
    _mid_body,
    grid=(PADN // BLK,),
    in_specs=[
        pl.BlockSpec((NC, BLK, DH), lambda i: (0, i, 0)),
        pl.BlockSpec((NC, BLK, DGW), lambda i: (0, i, 0)),
        pl.BlockSpec((D, H), lambda i: (0, 0)),
        pl.BlockSpec((1, H), lambda i: (0, 0)),
        pl.BlockSpec((H, D), lambda i: (0, 0)),
    ],
    out_specs=pl.BlockSpec((NC, BLK, DH), lambda i: (0, i, 0)),
    out_shape=jax.ShapeDtypeStruct((NC, PADN, DH), jnp.float32),
)


def _dec_body(s2_ref, deg_ref, b2_ref, wd1_ref, bd1_ref, wd2_ref, bd2_ref,
              xh_ref, z_ref):
    dis = _dis(deg_ref)
    z = jnp.concatenate([s2_ref[0], s2_ref[1]], axis=1) * dis + b2_ref[...]
    z_ref[...] = z
    h = jnp.maximum(
        jnp.dot(z, wd1_ref[...], preferred_element_type=jnp.float32)
        + bd1_ref[...], 0.0)
    xh_ref[...] = (jnp.dot(h, wd2_ref[...], preferred_element_type=jnp.float32)
                   + bd2_ref[...])


_dec_call = pl.pallas_call(
    _dec_body,
    grid=(PADN // BLK,),
    in_specs=[
        pl.BlockSpec((NC, BLK, DH), lambda i: (0, i, 0)),
        pl.BlockSpec((NC, BLK, DGW), lambda i: (0, i, 0)),
        pl.BlockSpec((1, D), lambda i: (0, 0)),
        pl.BlockSpec((D, H), lambda i: (0, 0)),
        pl.BlockSpec((1, H), lambda i: (0, 0)),
        pl.BlockSpec((H, D), lambda i: (0, 0)),
        pl.BlockSpec((1, D), lambda i: (0, 0)),
    ],
    out_specs=[
        pl.BlockSpec((BLK, D), lambda i: (i, 0)),
        pl.BlockSpec((BLK, D), lambda i: (i, 0)),
    ],
    out_shape=[
        jax.ShapeDtypeStruct((PADN, D), jnp.float32),
        jax.ShapeDtypeStruct((PADN, D), jnp.float32),
    ],
)


def _sagg_body(y_hbm, msgs_hbm, dstf_hbm, out_hbm, di_v, rows_v, acc_sh):
    c = lax.axis_index("c")
    s = lax.axis_index("s")
    pltpu.sync_copy(y_hbm.at[pl.ds(c * PADN + s * RPT, RPT)],
                    acc_sh.at[pl.ds(s * RPT, RPT)])
    plsc.subcore_barrier()

    base = s * AEPW

    def gs(k, _):
        off = base + k * EC
        pltpu.sync_copy(dstf_hbm.at[pl.ds(off, EC)], di_v)
        pltpu.sync_copy(msgs_hbm.at[c, pl.ds(off, EC)], rows_v)
        pltpu.sync_copy(rows_v, acc_sh.at[di_v], add=True)
        return 0

    lax.fori_loop(0, ACPT, gs, 0)
    plsc.subcore_barrier()
    pltpu.sync_copy(acc_sh.at[pl.ds(s * RPT, RPT)],
                    out_hbm.at[c, pl.ds(s * RPT, RPT)])


_sagg_call = functools.partial(
    pl.kernel,
    out_type=jax.ShapeDtypeStruct((NC, PADN, DH), jnp.float32),
    mesh=_mesh,
    scratch_types=[
        pltpu.VMEM((EC,), jnp.int32),
        pltpu.VMEM((EC, DH), jnp.float32),
        pltpu.VMEM_SHARED((PADN, DH), jnp.float32),
    ],
)(_sagg_body)


def kernel(x, edge_index, W1, b1, W2, b2, Wd1, bd1, Wd2, bd2):
    ei = edge_index.astype(jnp.int32)
    src = jnp.concatenate([ei[0], jnp.zeros((EPAD - E,), jnp.int32)])
    dst = jnp.concatenate([ei[1], jnp.full((EPAD - E,), N, jnp.int32)])
    src2 = jnp.stack([src, src + PADN])
    ones = jnp.ones((EC, DGW), jnp.float32)
    zer = jnp.zeros((PADN, DGW), jnp.float32)

    dego = _deg_call(dst, ones, zer)

    x_p = jnp.concatenate([x, jnp.zeros((PADN - N, D), jnp.float32)], axis=0)
    y1 = _scale_call(x_p, dego)
    yf1 = y1.reshape(NC * PADN, DH)
    s1 = _sagg_call(yf1, yf1[src2], dst)
    y2 = _mid_call(s1, dego, W1, b1.reshape(1, H), W2)
    yf2 = y2.reshape(NC * PADN, DH)
    s2 = _sagg_call(yf2, yf2[src2], dst)
    xh_p, z_p = _dec_call(s2, dego, b2.reshape(1, D), Wd1,
                          bd1.reshape(1, H), Wd2, bd2.reshape(1, D))
    return (xh_p[:N], z_p[:N])

# --- scband reference (transcript-rebuilt; emitter-appended) ---
"""Pipeline reference for scband-dominant-gcnauto-encoder-23888608100921 (READ-ONLY COPY).

The authoritative reference and input builder live on the scoring server;
editing this copy changes nothing except your own understanding.
"""

import jax, jax.numpy as jnp
import numpy as np

N_NODES = 10000
IN_DIM = 256
HID_DIM = 512
LAT_DIM = 256
N_EDGES = 160000


def glorot(key, shape):
    lim = float(np.sqrt(6.0 / (shape[0] + shape[1])))
    return jax.random.uniform(key, shape, dtype=jnp.float32, minval=-lim, maxval=lim)


def setup_inputs(seed: int = 0) -> dict:
    key = jax.random.key(seed)
    ks = jax.random.split(key, 10)
    x = jax.random.normal(ks[0], (N_NODES, IN_DIM), dtype=jnp.float32)
    edge_index = jax.random.randint(ks[1], (2, N_EDGES), 0, N_NODES, dtype=jnp.int64)
    # GCN encoder layer 1: input_dim -> hidden_dim
    W1 = glorot(ks[2], (IN_DIM, HID_DIM))
    b1 = jnp.zeros((HID_DIM,), dtype=jnp.float32)
    # GCN encoder layer 2: hidden_dim -> latent_dim
    W2 = glorot(ks[3], (HID_DIM, LAT_DIM))
    b2 = jnp.zeros((LAT_DIM,), dtype=jnp.float32)
    # Linear decoder layer 1: latent_dim -> hidden_dim
    Wd1 = glorot(ks[4], (LAT_DIM, HID_DIM))
    bd1 = jnp.zeros((HID_DIM,), dtype=jnp.float32)
    # Linear decoder layer 2: hidden_dim -> input_dim
    Wd2 = glorot(ks[5], (HID_DIM, IN_DIM))
    bd2 = jnp.zeros((IN_DIM,), dtype=jnp.float32)
    return {"x": x, "edge_index": edge_index, "W1": W1, "b1": b1, "W2": W2, "b2": b2, "Wd1": Wd1, "bd1": bd1, "Wd2": Wd2, "bd2": bd2}


def gcn_conv(x, src, dst, W, b, n_nodes):
    # PyG GCNConv: x' = x @ W, symmetric normalization with self-loops, scatter-add aggregate, + bias
    xw = x @ W
    deg = jnp.zeros((n_nodes,), dtype=jnp.float32).at[dst].add(1.0)
    deg_inv_sqrt = jax.lax.rsqrt(jnp.maximum(deg, 1.0))
    norm = deg_inv_sqrt[src] * deg_inv_sqrt[dst]
    msgs = xw[src] * norm[:, None]
    out = jnp.zeros_like(xw).at[dst].add(msgs)
    return out + b


def reference(x, edge_index, W1, b1, W2, b2, Wd1, bd1, Wd2, bd2):
    n_nodes = x.shape[0]
    loop = jnp.arange(n_nodes, dtype=edge_index.dtype)
    src = jnp.concatenate([edge_index[0], loop])
    dst = jnp.concatenate([edge_index[1], loop])
    z = jax.nn.relu(gcn_conv(x, src, dst, W1, b1, n_nodes))
    z = gcn_conv(z, src, dst, W2, b2, n_nodes)
    h = jax.nn.relu(z @ Wd1 + bd1)
    x_hat = h @ Wd2 + bd2
    return (x_hat, z)

if __name__ == "__main__":
    import jax
    _d = setup_inputs()
    print(jax.jit(kernel)(*tuple(_d.values())))

</pallas_src>

<mosaic_0001>
#map = affine_map<(d0, d1) -> (0)>
#map1 = affine_map<(d0, d1) -> (0, 0)>
#map2 = affine_map<(d0, d1) -> (0, 0, 0)>
module attributes {stable_mosaic.version = 14 : i64} {
  func.func @_deg_body(%arg0: i32, %arg1: i32, %arg2: memref<163840xi32, #tpu.memory_space<hbm>>, %arg3: memref<128x16xf32, #tpu.memory_space<hbm>>, %arg4: memref<10240x16xf32, #tpu.memory_space<hbm>>, %arg5: memref<2x10240x16xf32, #tpu.memory_space<hbm>>, %arg6: memref<128xi32, #tpu.memory_space<vmem>>, %arg7: memref<128x16xf32, #tpu.memory_space<vmem>>, %arg8: memref<10240x16xf32, #tpu.memory_space<vmem_shared>>) attributes {dimension_semantics = [#tpu.dimension_semantics<core_parallel>, #tpu.dimension_semantics<subcore_parallel>], iteration_bounds = array<i64: 2, 16>, scalar_prefetch = 0 : i64, scratch_operands = 3 : i64, tpu.core_type = #tpu.core_type<sc_vector_subcore>, window_params = [{transform_indices = #map}, {transform_indices = #map1}, {transform_indices = #map1}, {transform_indices = #map2}]} {
    "tpu.region"() ({
      %run_scoped3A = tpu.sem_alloc : memref<!tpu.dma_semaphore, #tpu.memory_space<semaphore_mem>>
      tpu.enqueue_dma source(%arg3 : memref<128x16xf32, #tpu.memory_space<hbm>>) target(%arg7 : memref<128x16xf32, #tpu.memory_space<vmem>>) target_semaphore(%run_scoped3A : memref<!tpu.dma_semaphore, #tpu.memory_space<semaphore_mem>>)
      tpu.wait_dma2 semaphore(%run_scoped3A : memref<!tpu.dma_semaphore, #tpu.memory_space<semaphore_mem>>) src(%arg3 : memref<128x16xf32, #tpu.memory_space<hbm>>) dst(%arg7 : memref<128x16xf32, #tpu.memory_space<vmem>>)
      tpu.yield
    }) : () -> ()
    %mul3A = arith.constant 640 : i32
    %mul3A_0 = arith.muli %arg1, %mul3A : i32
    %mul3A_1 = arith.constant 640 : i32
    %mul3A_2 = arith.muli %arg1, %mul3A_1 : i32
    "tpu.region"() ({
      %run_scoped3A = tpu.sem_alloc : memref<!tpu.dma_semaphore, #tpu.memory_space<semaphore_mem>>
      %dma_start3A = arith.constant 0 : i32
      %dma_start3A_18 = tpu.memref_slice %arg8[%mul3A_2, %dma_start3A] : memref<10240x16xf32, #tpu.memory_space<vmem_shared>> -> memref<640x16xf32, #tpu.memory_space<vmem_shared>>
      %dma_start3A_19 = arith.constant 0 : i32
      %dma_start3A_20 = tpu.memref_slice %arg4[%mul3A_0, %dma_start3A_19] : memref<10240x16xf32, #tpu.memory_space<hbm>> -> memref<640x16xf32, #tpu.memory_space<hbm>>
      tpu.enqueue_dma source(%dma_start3A_20 : memref<640x16xf32, #tpu.memory_space<hbm>>) target(%dma_start3A_18 : memref<640x16xf32, #tpu.memory_space<vmem_shared>>) target_semaphore(%run_scoped3A : memref<!tpu.dma_semaphore, #tpu.memory_space<semaphore_mem>>)
      %dma_wait3A = arith.constant 0 : i32
      %dma_wait3A_21 = tpu.memref_slice %arg8[%mul3A_2, %dma_wait3A] : memref<10240x16xf32, #tpu.memory_space<vmem_shared>> -> memref<640x16xf32, #tpu.memory_space<vmem_shared>>
      %dma_wait3A_22 = arith.constant 0 : i32
      %dma_wait3A_23 = tpu.memref_slice %arg4[%mul3A_0, %dma_wait3A_22] : memref<10240x16xf32, #tpu.memory_space<hbm>> -> memref<640x16xf32, #tpu.memory_space<hbm>>
      tpu.wait_dma2 semaphore(%run_scoped3A : memref<!tpu.dma_semaphore, #tpu.memory_space<semaphore_mem>>) src(%dma_wait3A_23 : memref<640x16xf32, #tpu.memory_space<hbm>>) dst(%dma_wait3A_21 : memref<640x16xf32, #tpu.memory_space<vmem_shared>>)
      tpu.yield
    }) : () -> ()
    %barrier3A = arith.constant 0 : index
    tpu.barrier barrier_id(%barrier3A)
    %mul3A_3 = arith.constant 16 : i32
    %mul3A_4 = arith.muli %arg0, %mul3A_3 : i32
    %add3A = arith.addi %mul3A_4, %arg1 : i32
    %mul3A_5 = arith.constant 5120 : i32
    %mul3A_6 = arith.muli %add3A, %mul3A_5 : i32
    %scan3A = arith.constant 0 : i32
    %scan3A_7 = arith.constant 0 : i32
    %scan3A_8 = arith.constant 40 : i32
    %scan3A_9 = arith.addi %scan3A_7, %scan3A_8 : i32
    %scan3A_10 = arith.constant 1 : i32
    %scan3A_11 = scf.for %scan3A_18 = %scan3A_7 to %scan3A_9 step %scan3A_10 iter_args(%scan3A_19 = %scan3A) -> (i32)  : i32 {
      %mul3A_20 = arith.constant 128 : i32
      %mul3A_21 = arith.muli %scan3A_18, %mul3A_20 : i32
      %add3A_22 = arith.addi %mul3A_6, %mul3A_21 : i32
      "tpu.region"() ({
        %run_scoped3A = tpu.sem_alloc : memref<!tpu.dma_semaphore, #tpu.memory_space<semaphore_mem>>
        %dma_start3A = tpu.memref_slice %arg2[%add3A_22] : memref<163840xi32, #tpu.memory_space<hbm>> -> memref<128xi32, #tpu.memory_space<hbm>>
        %dma_start3A_24 = tpu.memref_slice %arg2[%add3A_22] : memref<163840xi32, #tpu.memory_space<hbm>> -> memref<128xi32, #tpu.memory_space<hbm>>
        tpu.enqueue_dma source(%dma_start3A_24 : memref<128xi32, #tpu.memory_space<hbm>>) target(%arg6 : memref<128xi32, #tpu.memory_space<vmem>>) target_semaphore(%run_scoped3A : memref<!tpu.dma_semaphore, #tpu.memory_space<semaphore_mem>>)
        %dma_wait3A = tpu.memref_slice %arg2[%add3A_22] : memref<163840xi32, #tpu.memory_space<hbm>> -> memref<128xi32, #tpu.memory_space<hbm>>
        %dma_wait3A_25 = tpu.memref_slice %arg2[%add3A_22] : memref<163840xi32, #tpu.memory_space<hbm>> -> memref<128xi32, #tpu.memory_space<hbm>>
        tpu.wait_dma2 semaphore(%run_scoped3A : memref<!tpu.dma_semaphore, #tpu.memory_space<semaphore_mem>>) src(%dma_wait3A_25 : memref<128xi32, #tpu.memory_space<hbm>>) dst(%arg6 : memref<128xi32, #tpu.memory_space<vmem>>)
        tpu.yield
      }) : () -> ()
      "tpu.region"() ({
        %run_scoped3A = tpu.sem_alloc : memref<!tpu.dma_semaphore, #tpu.memory_space<semaphore_mem>>
        %dma_start3A = arith.constant 0 : i32
        %dma_start3A_24 = arith.constant 0 : i32
        %dma_start3A_25 = tpu.memref_slice %arg8[%dma_start3A, %dma_start3A_24] : memref<10240x16xf32, #tpu.memory_space<vmem_shared>> -> memref<10240x16xf32, #tpu.memory_space<vmem_shared>>
        tpu.enqueue_indirect_dma source(%arg7 : memref<128x16xf32, #tpu.memory_space<vmem>>) target(%dma_start3A_25 : memref<10240x16xf32, #tpu.memory_space<vmem_shared>>) offsets(%arg6 : memref<128xi32, #tpu.memory_space<vmem>>) semaphore(%run_scoped3A : memref<!tpu.dma_semaphore, #tpu.memory_space<semaphore_mem>>) {add = true}
        %dma_wait3A = arith.constant 0 : i32
        %dma_wait3A_26 = arith.constant 0 : i32
        %dma_wait3A_27 = tpu.memref_slice %arg8[%dma_wait3A, %dma_wait3A_26] : memref<10240x16xf32, #tpu.memory_space<vmem_shared>> -> memref<10240x16xf32, #tpu.memory_space<vmem_shared>>
        tpu.wait_indirect_dma semaphore(%run_scoped3A : memref<!tpu.dma_semaphore, #tpu.memory_space<semaphore_mem>>) src(%arg7 : memref<128x16xf32, #tpu.memory_space<vmem>>) dst(%dma_wait3A_27 : memref<10240x16xf32, #tpu.memory_space<vmem_shared>>)
        tpu.yield
      }) : () -> ()
      %scan3A_23 = arith.constant 0 : i32
      scf.yield %scan3A_23 : i32
    }
    %scan3A_12 = arith.constant 40 : i32
    %barrier3A_13 = arith.constant 0 : index
    tpu.barrier barrier_id(%barrier3A_13)
    %mul3A_14 = arith.constant 640 : i32
    %mul3A_15 = arith.muli %arg1, %mul3A_14 : i32
    %mul3A_16 = arith.constant 640 : i32
    %mul3A_17 = arith.muli %arg1, %mul3A_16 : i32
    "tpu.region"() ({
      %run_scoped3A = tpu.sem_alloc : memref<!tpu.dma_semaphore, #tpu.memory_space<semaphore_mem>>
      %dma_start3A = arith.constant 0 : i32
      %dma_start3A_18 = tpu.memref_slice %arg5[%arg0, %mul3A_17, %dma_start3A] : memref<2x10240x16xf32, #tpu.memory_space<hbm>> -> memref<1x640x16xf32, #tpu.memory_space<hbm>>
      %dma_start3A_19 = tpu.memref_squeeze %dma_start3A_18 : memref<1x640x16xf32, #tpu.memory_space<hbm>> -> memref<640x16xf32, #tpu.memory_space<hbm>>
      %dma_start3A_20 = arith.constant 0 : i32
      %dma_start3A_21 = tpu.memref_slice %arg8[%mul3A_15, %dma_start3A_20] : memref<10240x16xf32, #tpu.memory_space<vmem_shared>> -> memref<640x16xf32, #tpu.memory_space<vmem_shared>>
      tpu.enqueue_dma source(%dma_start3A_21 : memref<640x16xf32, #tpu.memory_space<vmem_shared>>) target(%dma_start3A_19 : memref<640x16xf32, #tpu.memory_space<hbm>>) target_semaphore(%run_scoped3A : memref<!tpu.dma_semaphore, #tpu.memory_space<semaphore_mem>>)
      %dma_wait3A = arith.constant 0 : i32
      %dma_wait3A_22 = tpu.memref_slice %arg5[%arg0, %mul3A_17, %dma_wait3A] : memref<2x10240x16xf32, #tpu.memory_space<hbm>> -> memref<1x640x16xf32, #tpu.memory_space<hbm>>
      %dma_wait3A_23 = tpu.memref_squeeze %dma_wait3A_22 : memref<1x640x16xf32, #tpu.memory_space<hbm>> -> memref<640x16xf32, #tpu.memory_space<hbm>>
      %dma_wait3A_24 = arith.constant 0 : i32
      %dma_wait3A_25 = tpu.memref_slice %arg8[%mul3A_15, %dma_wait3A_24] : memref<10240x16xf32, #tpu.memory_space<vmem_shared>> -> memref<640x16xf32, #tpu.memory_space<vmem_shared>>
      tpu.wait_dma2 semaphore(%run_scoped3A : memref<!tpu.dma_semaphore, #tpu.memory_space<semaphore_mem>>) src(%dma_wait3A_25 : memref<640x16xf32, #tpu.memory_space<vmem_shared>>) dst(%dma_wait3A_23 : memref<640x16xf32, #tpu.memory_space<hbm>>)
      tpu.yield
    }) : () -> ()
    return
  }
}

#map = affine_map<(d0, d1) -> (0, 0)>
#map1 = affine_map<(d0, d1) -> (0, 0, 0)>
#map2 = affine_map<(d0, d1) -> (0)>
module attributes {stable_mosaic.version = 14 : i64} {
  func.func @_sagg_body(%arg0: i32, %arg1: i32, %arg2: memref<20480x128xf32, #tpu.memory_space<hbm>>, %arg3: memref<2x163840x128xf32, #tpu.memory_space<hbm>>, %arg4: memref<163840xi32, #tpu.memory_space<hbm>>, %arg5: memref<2x10240x128xf32, #tpu.memory_space<hbm>>, %arg6: memref<128xi32, #tpu.memory_space<vmem>>, %arg7: memref<128x128xf32, #tpu.memory_space<vmem>>, %arg8: memref<10240x128xf32, #tpu.memory_space<vmem_shared>>) attributes {dimension_semantics = [#tpu.dimension_semantics<core_parallel>, #tpu.dimension_semantics<subcore_parallel>], iteration_bounds = array<i64: 2, 16>, scalar_prefetch = 0 : i64, scratch_operands = 3 : i64, tpu.core_type = #tpu.core_type<sc_vector_subcore>, window_params = [{transform_indices = #map}, {transform_indices = #map1}, {transform_indices = #map2}, {transform_indices = #map1}]} {
    %mul3A = arith.constant 10240 : i32
    %mul3A_0 = arith.muli %arg0, %mul3A : i32
    %mul3A_1 = arith.constant 640 : i32
    %mul3A_2 = arith.muli %arg1, %mul3A_1 : i32
    %add3A = arith.addi %mul3A_0, %mul3A_2 : i32
    %mul3A_3 = arith.constant 640 : i32
    %mul3A_4 = arith.muli %arg1, %mul3A_3 : i32
    "tpu.region"() ({
      %run_scoped3A = tpu.sem_alloc : memref<!tpu.dma_semaphore, #tpu.memory_space<semaphore_mem>>
      %dma_start3A = arith.constant 0 : i32
      %dma_start3A_18 = tpu.memref_slice %arg8[%mul3A_4, %dma_start3A] : memref<10240x128xf32, #tpu.memory_space<vmem_shared>> -> memref<640x128xf32, #tpu.memory_space<vmem_shared>>
      %dma_start3A_19 = arith.constant 0 : i32
      %dma_start3A_20 = tpu.memref_slice %arg2[%add3A, %dma_start3A_19] : memref<20480x128xf32, #tpu.memory_space<hbm>> -> memref<640x128xf32, #tpu.memory_space<hbm>>
      tpu.enqueue_dma source(%dma_start3A_20 : memref<640x128xf32, #tpu.memory_space<hbm>>) target(%dma_start3A_18 : memref<640x128xf32, #tpu.memory_space<vmem_shared>>) target_semaphore(%run_scoped3A : memref<!tpu.dma_semaphore, #tpu.memory_space<semaphore_mem>>)
      %dma_wait3A = arith.constant 0 : i32
      %dma_wait3A_21 = tpu.memref_slice %arg8[%mul3A_4, %dma_wait3A] : memref<10240x128xf32, #tpu.memory_space<vmem_shared>> -> memref<640x128xf32, #tpu.memory_space<vmem_shared>>
      %dma_wait3A_22 = arith.constant 0 : i32
      %dma_wait3A_23 = tpu.memref_slice %arg2[%add3A, %dma_wait3A_22] : memref<20480x128xf32, #tpu.memory_space<hbm>> -> memref<640x128xf32, #tpu.memory_space<hbm>>
      tpu.wait_dma2 semaphore(%run_scoped3A : memref<!tpu.dma_semaphore, #tpu.memory_space<semaphore_mem>>) src(%dma_wait3A_23 : memref<640x128xf32, #tpu.memory_space<hbm>>) dst(%dma_wait3A_21 : memref<640x128xf32, #tpu.memory_space<vmem_shared>>)
      tpu.yield
    }) : () -> ()
    %barrier3A = arith.constant 0 : index
    tpu.barrier barrier_id(%barrier3A)
    %mul3A_5 = arith.constant 10240 : i32
    %mul3A_6 = arith.muli %arg1, %mul3A_5 : i32
    %scan3A = arith.constant 0 : i32
    %scan3A_7 = arith.constant 0 : i32
    %scan3A_8 = arith.constant 80 : i32
    %scan3A_9 = arith.addi %scan3A_7, %scan3A_8 : i32
    %scan3A_10 = arith.constant 1 : i32
    %scan3A_11 = scf.for %scan3A_18 = %scan3A_7 to %scan3A_9 step %scan3A_10 iter_args(%scan3A_19 = %scan3A) -> (i32)  : i32 {
      %mul3A_20 = arith.constant 128 : i32
      %mul3A_21 = arith.muli %scan3A_18, %mul3A_20 : i32
      %add3A_22 = arith.addi %mul3A_6, %mul3A_21 : i32
      "tpu.region"() ({
        %run_scoped3A = tpu.sem_alloc : memref<!tpu.dma_semaphore, #tpu.memory_space<semaphore_mem>>
        %dma_start3A = tpu.memref_slice %arg4[%add3A_22] : memref<163840xi32, #tpu.memory_space<hbm>> -> memref<128xi32, #tpu.memory_space<hbm>>
        %dma_start3A_24 = tpu.memref_slice %arg4[%add3A_22] : memref<163840xi32, #tpu.memory_space<hbm>> -> memref<128xi32, #tpu.memory_space<hbm>>
        tpu.enqueue_dma source(%dma_start3A_24 : memref<128xi32, #tpu.memory_space<hbm>>) target(%arg6 : memref<128xi32, #tpu.memory_space<vmem>>) target_semaphore(%run_scoped3A : memref<!tpu.dma_semaphore, #tpu.memory_space<semaphore_mem>>)
        %dma_wait3A = tpu.memref_slice %arg4[%add3A_22] : memref<163840xi32, #tpu.memory_space<hbm>> -> memref<128xi32, #tpu.memory_space<hbm>>
        %dma_wait3A_25 = tpu.memref_slice %arg4[%add3A_22] : memref<163840xi32, #tpu.memory_space<hbm>> -> memref<128xi32, #tpu.memory_space<hbm>>
        tpu.wait_dma2 semaphore(%run_scoped3A : memref<!tpu.dma_semaphore, #tpu.memory_space<semaphore_mem>>) src(%dma_wait3A_25 : memref<128xi32, #tpu.memory_space<hbm>>) dst(%arg6 : memref<128xi32, #tpu.memory_space<vmem>>)
        tpu.yield
      }) : () -> ()
      "tpu.region"() ({
        %run_scoped3A = tpu.sem_alloc : memref<!tpu.dma_semaphore, #tpu.memory_space<semaphore_mem>>
        %dma_start3A = arith.constant 0 : i32
        %dma_start3A_24 = tpu.memref_slice %arg3[%arg0, %add3A_22, %dma_start3A] : memref<2x163840x128xf32, #tpu.memory_space<hbm>> -> memref<1x128x128xf32, #tpu.memory_space<hbm>>
        %dma_start3A_25 = tpu.memref_squeeze %dma_start3A_24 : memref<1x128x128xf32, #tpu.memory_space<hbm>> -> memref<128x128xf32, #tpu.memory_space<hbm>>
        %dma_start3A_26 = arith.constant 0 : i32
        %dma_start3A_27 = tpu.memref_slice %arg3[%arg0, %add3A_22, %dma_start3A_26] : memref<2x163840x128xf32, #tpu.memory_space<hbm>> -> memref<1x128x128xf32, #tpu.memory_space<hbm>>
        %dma_start3A_28 = tpu.memref_squeeze %dma_start3A_27 : memref<1x128x128xf32, #tpu.memory_space<hbm>> -> memref<128x128xf32, #tpu.memory_space<hbm>>
        tpu.enqueue_dma source(%dma_start3A_28 : memref<128x128xf32, #tpu.memory_space<hbm>>) target(%arg7 : memref<128x128xf32, #tpu.memory_space<vmem>>) target_semaphore(%run_scoped3A : memref<!tpu.dma_semaphore, #tpu.memory_space<semaphore_mem>>)
        %dma_wait3A = arith.constant 0 : i32
        %dma_wait3A_29 = tpu.memref_slice %arg3[%arg0, %add3A_22, %dma_wait3A] : memref<2x163840x128xf32, #tpu.memory_space<hbm>> -> memref<1x128x128xf32, #tpu.memory_space<hbm>>
        %dma_wait3A_30 = tpu.memref_squeeze %dma_wait3A_29 : memref<1x128x128xf32, #tpu.memory_space<hbm>> -> memref<128x128xf32, #tpu.memory_space<hbm>>
        %dma_wait3A_31 = arith.constant 0 : i32
        %dma_wait3A_32 = tpu.memref_slice %arg3[%arg0, %add3A_22, %dma_wait3A_31] : memref<2x163840x128xf32, #tpu.memory_space<hbm>> -> memref<1x128x128xf32, #tpu.memory_space<hbm>>
        %dma_wait3A_33 = tpu.memref_squeeze %dma_wait3A_32 : memref<1x128x128xf32, #tpu.memory_space<hbm>> -> memref<128x128xf32, #tpu.memory_space<hbm>>
        tpu.wait_dma2 semaphore(%run_scoped3A : memref<!tpu.dma_semaphore, #tpu.memory_space<semaphore_mem>>) src(%dma_wait3A_33 : memref<128x128xf32, #tpu.memory_space<hbm>>) dst(%arg7 : memref<128x128xf32, #tpu.memory_space<vmem>>)
        tpu.yield
      }) : () -> ()
      "tpu.region"() ({
        %run_scoped3A = tpu.sem_alloc : memref<!tpu.dma_semaphore, #tpu.memory_space<semaphore_mem>>
        %dma_start3A = arith.constant 0 : i32
        %dma_start3A_24 = arith.constant 0 : i32
        %dma_start3A_25 = tpu.memref_slice %arg8[%dma_start3A, %dma_start3A_24] : memref<10240x128xf32, #tpu.memory_space<vmem_shared>> -> memref<10240x128xf32, #tpu.memory_space<vmem_shared>>
        tpu.enqueue_indirect_dma source(%arg7 : memref<128x128xf32, #tpu.memory_space<vmem>>) target(%dma_start3A_25 : memref<10240x128xf32, #tpu.memory_space<vmem_shared>>) offsets(%arg6 : memref<128xi32, #tpu.memory_space<vmem>>) semaphore(%run_scoped3A : memref<!tpu.dma_semaphore, #tpu.memory_space<semaphore_mem>>) {add = true}
        %dma_wait3A = arith.constant 0 : i32
        %dma_wait3A_26 = arith.constant 0 : i32
        %dma_wait3A_27 = tpu.memref_slice %arg8[%dma_wait3A, %dma_wait3A_26] : memref<10240x128xf32, #tpu.memory_space<vmem_shared>> -> memref<10240x128xf32, #tpu.memory_space<vmem_shared>>
        tpu.wait_indirect_dma semaphore(%run_scoped3A : memref<!tpu.dma_semaphore, #tpu.memory_space<semaphore_mem>>) src(%arg7 : memref<128x128xf32, #tpu.memory_space<vmem>>) dst(%dma_wait3A_27 : memref<10240x128xf32, #tpu.memory_space<vmem_shared>>)
        tpu.yield
      }) : () -> ()
      %scan3A_23 = arith.constant 0 : i32
      scf.yield %scan3A_23 : i32
    }
    %scan3A_12 = arith.constant 80 : i32
    %barrier3A_13 = arith.constant 0 : index
    tpu.barrier barrier_id(%barrier3A_13)
    %mul3A_14 = arith.constant 640 : i32
    %mul3A_15 = arith.muli %arg1, %mul3A_14 : i32
    %mul3A_16 = arith.constant 640 : i32
    %mul3A_17 = arith.muli %arg1, %mul3A_16 : i32
    "tpu.region"() ({
      %run_scoped3A = tpu.sem_alloc : memref<!tpu.dma_semaphore, #tpu.memory_space<semaphore_mem>>
      %dma_start3A = arith.constant 0 : i32
      %dma_start3A_18 = tpu.memref_slice %arg5[%arg0, %mul3A_17, %dma_start3A] : memref<2x10240x128xf32, #tpu.memory_space<hbm>> -> memref<1x640x128xf32, #tpu.memory_space<hbm>>
      %dma_start3A_19 = tpu.memref_squeeze %dma_start3A_18 : memref<1x640x128xf32, #tpu.memory_space<hbm>> -> memref<640x128xf32, #tpu.memory_space<hbm>>
      %dma_start3A_20 = arith.constant 0 : i32
      %dma_start3A_21 = tpu.memref_slice %arg8[%mul3A_15, %dma_start3A_20] : memref<10240x128xf32, #tpu.memory_space<vmem_shared>> -> memref<640x128xf32, #tpu.memory_space<vmem_shared>>
      tpu.enqueue_dma source(%dma_start3A_21 : memref<640x128xf32, #tpu.memory_space<vmem_shared>>) target(%dma_start3A_19 : memref<640x128xf32, #tpu.memory_space<hbm>>) target_semaphore(%run_scoped3A : memref<!tpu.dma_semaphore, #tpu.memory_space<semaphore_mem>>)
      %dma_wait3A = arith.constant 0 : i32
      %dma_wait3A_22 = tpu.memref_slice %arg5[%arg0, %mul3A_17, %dma_wait3A] : memref<2x10240x128xf32, #tpu.memory_space<hbm>> -> memref<1x640x128xf32, #tpu.memory_space<hbm>>
      %dma_wait3A_23 = tpu.memref_squeeze %dma_wait3A_22 : memref<1x640x128xf32, #tpu.memory_space<hbm>> -> memref<640x128xf32, #tpu.memory_space<hbm>>
      %dma_wait3A_24 = arith.constant 0 : i32
      %dma_wait3A_25 = tpu.memref_slice %arg8[%mul3A_15, %dma_wait3A_24] : memref<10240x128xf32, #tpu.memory_space<vmem_shared>> -> memref<640x128xf32, #tpu.memory_space<vmem_shared>>
      tpu.wait_dma2 semaphore(%run_scoped3A : memref<!tpu.dma_semaphore, #tpu.memory_space<semaphore_mem>>) src(%dma_wait3A_25 : memref<640x128xf32, #tpu.memory_space<vmem_shared>>) dst(%dma_wait3A_23 : memref<640x128xf32, #tpu.memory_space<hbm>>)
      tpu.yield
    }) : () -> ()
    return
  }
}

#map = affine_map<(d0, d1) -> (0, 0)>
#map1 = affine_map<(d0, d1) -> (0, 0, 0)>
#map2 = affine_map<(d0, d1) -> (0)>
module attributes {stable_mosaic.version = 14 : i64} {
  func.func @_sagg_body(%arg0: i32, %arg1: i32, %arg2: memref<20480x128xf32, #tpu.memory_space<hbm>>, %arg3: memref<2x163840x128xf32, #tpu.memory_space<hbm>>, %arg4: memref<163840xi32, #tpu.memory_space<hbm>>, %arg5: memref<2x10240x128xf32, #tpu.memory_space<hbm>>, %arg6: memref<128xi32, #tpu.memory_space<vmem>>, %arg7: memref<128x128xf32, #tpu.memory_space<vmem>>, %arg8: memref<10240x128xf32, #tpu.memory_space<vmem_shared>>) attributes {dimension_semantics = [#tpu.dimension_semantics<core_parallel>, #tpu.dimension_semantics<subcore_parallel>], iteration_bounds = array<i64: 2, 16>, scalar_prefetch = 0 : i64, scratch_operands = 3 : i64, tpu.core_type = #tpu.core_type<sc_vector_subcore>, window_params = [{transform_indices = #map}, {transform_indices = #map1}, {transform_indices = #map2}, {transform_indices = #map1}]} {
    %mul3A = arith.constant 10240 : i32
    %mul3A_0 = arith.muli %arg0, %mul3A : i32
    %mul3A_1 = arith.constant 640 : i32
    %mul3A_2 = arith.muli %arg1, %mul3A_1 : i32
    %add3A = arith.addi %mul3A_0, %mul3A_2 : i32
    %mul3A_3 = arith.constant 640 : i32
    %mul3A_4 = arith.muli %arg1, %mul3A_3 : i32
    "tpu.region"() ({
      %run_scoped3A = tpu.sem_alloc : memref<!tpu.dma_semaphore, #tpu.memory_space<semaphore_mem>>
      %dma_start3A = arith.constant 0 : i32
      %dma_start3A_18 = tpu.memref_slice %arg8[%mul3A_4, %dma_start3A] : memref<10240x128xf32, #tpu.memory_space<vmem_shared>> -> memref<640x128xf32, #tpu.memory_space<vmem_shared>>
      %dma_start3A_19 = arith.constant 0 : i32
      %dma_start3A_20 = tpu.memref_slice %arg2[%add3A, %dma_start3A_19] : memref<20480x128xf32, #tpu.memory_space<hbm>> -> memref<640x128xf32, #tpu.memory_space<hbm>>
      tpu.enqueue_dma source(%dma_start3A_20 : memref<640x128xf32, #tpu.memory_space<hbm>>) target(%dma_start3A_18 : memref<640x128xf32, #tpu.memory_space<vmem_shared>>) target_semaphore(%run_scoped3A : memref<!tpu.dma_semaphore, #tpu.memory_space<semaphore_mem>>)
      %dma_wait3A = arith.constant 0 : i32
      %dma_wait3A_21 = tpu.memref_slice %arg8[%mul3A_4, %dma_wait3A] : memref<10240x128xf32, #tpu.memory_space<vmem_shared>> -> memref<640x128xf32, #tpu.memory_space<vmem_shared>>
      %dma_wait3A_22 = arith.constant 0 : i32
      %dma_wait3A_23 = tpu.memref_slice %arg2[%add3A, %dma_wait3A_22] : memref<20480x128xf32, #tpu.memory_space<hbm>> -> memref<640x128xf32, #tpu.memory_space<hbm>>
      tpu.wait_dma2 semaphore(%run_scoped3A : memref<!tpu.dma_semaphore, #tpu.memory_space<semaphore_mem>>) src(%dma_wait3A_23 : memref<640x128xf32, #tpu.memory_space<hbm>>) dst(%dma_wait3A_21 : memref<640x128xf32, #tpu.memory_space<vmem_shared>>)
      tpu.yield
    }) : () -> ()
    %barrier3A = arith.constant 0 : index
    tpu.barrier barrier_id(%barrier3A)
    %mul3A_5 = arith.constant 10240 : i32
    %mul3A_6 = arith.muli %arg1, %mul3A_5 : i32
    %scan3A = arith.constant 0 : i32
    %scan3A_7 = arith.constant 0 : i32
    %scan3A_8 = arith.constant 80 : i32
    %scan3A_9 = arith.addi %scan3A_7, %scan3A_8 : i32
    %scan3A_10 = arith.constant 1 : i32
    %scan3A_11 = scf.for %scan3A_18 = %scan3A_7 to %scan3A_9 step %scan3A_10 iter_args(%scan3A_19 = %scan3A) -> (i32)  : i32 {
      %mul3A_20 = arith.constant 128 : i32
      %mul3A_21 = arith.muli %scan3A_18, %mul3A_20 : i32
      %add3A_22 = arith.addi %mul3A_6, %mul3A_21 : i32
      "tpu.region"() ({
        %run_scoped3A = tpu.sem_alloc : memref<!tpu.dma_semaphore, #tpu.memory_space<semaphore_mem>>
        %dma_start3A = tpu.memref_slice %arg4[%add3A_22] : memref<163840xi32, #tpu.memory_space<hbm>> -> memref<128xi32, #tpu.memory_space<hbm>>
        %dma_start3A_24 = tpu.memref_slice %arg4[%add3A_22] : memref<163840xi32, #tpu.memory_space<hbm>> -> memref<128xi32, #tpu.memory_space<hbm>>
        tpu.enqueue_dma source(%dma_start3A_24 : memref<128xi32, #tpu.memory_space<hbm>>) target(%arg6 : memref<128xi32, #tpu.memory_space<vmem>>) target_semaphore(%run_scoped3A : memref<!tpu.dma_semaphore, #tpu.memory_space<semaphore_mem>>)
        %dma_wait3A = tpu.memref_slice %arg4[%add3A_22] : memref<163840xi32, #tpu.memory_space<hbm>> -> memref<128xi32, #tpu.memory_space<hbm>>
        %dma_wait3A_25 = tpu.memref_slice %arg4[%add3A_22] : memref<163840xi32, #tpu.memory_space<hbm>> -> memref<128xi32, #tpu.memory_space<hbm>>
        tpu.wait_dma2 semaphore(%run_scoped3A : memref<!tpu.dma_semaphore, #tpu.memory_space<semaphore_mem>>) src(%dma_wait3A_25 : memref<128xi32, #tpu.memory_space<hbm>>) dst(%arg6 : memref<128xi32, #tpu.memory_space<vmem>>)
        tpu.yield
      }) : () -> ()
      "tpu.region"() ({
        %run_scoped3A = tpu.sem_alloc : memref<!tpu.dma_semaphore, #tpu.memory_space<semaphore_mem>>
        %dma_start3A = arith.constant 0 : i32
        %dma_start3A_24 = tpu.memref_slice %arg3[%arg0, %add3A_22, %dma_start3A] : memref<2x163840x128xf32, #tpu.memory_space<hbm>> -> memref<1x128x128xf32, #tpu.memory_space<hbm>>
        %dma_start3A_25 = tpu.memref_squeeze %dma_start3A_24 : memref<1x128x128xf32, #tpu.memory_space<hbm>> -> memref<128x128xf32, #tpu.memory_space<hbm>>
        %dma_start3A_26 = arith.constant 0 : i32
        %dma_start3A_27 = tpu.memref_slice %arg3[%arg0, %add3A_22, %dma_start3A_26] : memref<2x163840x128xf32, #tpu.memory_space<hbm>> -> memref<1x128x128xf32, #tpu.memory_space<hbm>>
        %dma_start3A_28 = tpu.memref_squeeze %dma_start3A_27 : memref<1x128x128xf32, #tpu.memory_space<hbm>> -> memref<128x128xf32, #tpu.memory_space<hbm>>
        tpu.enqueue_dma source(%dma_start3A_28 : memref<128x128xf32, #tpu.memory_space<hbm>>) target(%arg7 : memref<128x128xf32, #tpu.memory_space<vmem>>) target_semaphore(%run_scoped3A : memref<!tpu.dma_semaphore, #tpu.memory_space<semaphore_mem>>)
        %dma_wait3A = arith.constant 0 : i32
        %dma_wait3A_29 = tpu.memref_slice %arg3[%arg0, %add3A_22, %dma_wait3A] : memref<2x163840x128xf32, #tpu.memory_space<hbm>> -> memref<1x128x128xf32, #tpu.memory_space<hbm>>
        %dma_wait3A_30 = tpu.memref_squeeze %dma_wait3A_29 : memref<1x128x128xf32, #tpu.memory_space<hbm>> -> memref<128x128xf32, #tpu.memory_space<hbm>>
        %dma_wait3A_31 = arith.constant 0 : i32
        %dma_wait3A_32 = tpu.memref_slice %arg3[%arg0, %add3A_22, %dma_wait3A_31] : memref<2x163840x128xf32, #tpu.memory_space<hbm>> -> memref<1x128x128xf32, #tpu.memory_space<hbm>>
        %dma_wait3A_33 = tpu.memref_squeeze %dma_wait3A_32 : memref<1x128x128xf32, #tpu.memory_space<hbm>> -> memref<128x128xf32, #tpu.memory_space<hbm>>
        tpu.wait_dma2 semaphore(%run_scoped3A : memref<!tpu.dma_semaphore, #tpu.memory_space<semaphore_mem>>) src(%dma_wait3A_33 : memref<128x128xf32, #tpu.memory_space<hbm>>) dst(%arg7 : memref<128x128xf32, #tpu.memory_space<vmem>>)
        tpu.yield
      }) : () -> ()
      "tpu.region"() ({
        %run_scoped3A = tpu.sem_alloc : memref<!tpu.dma_semaphore, #tpu.memory_space<semaphore_mem>>
        %dma_start3A = arith.constant 0 : i32
        %dma_start3A_24 = arith.constant 0 : i32
        %dma_start3A_25 = tpu.memref_slice %arg8[%dma_start3A, %dma_start3A_24] : memref<10240x128xf32, #tpu.memory_space<vmem_shared>> -> memref<10240x128xf32, #tpu.memory_space<vmem_shared>>
        tpu.enqueue_indirect_dma source(%arg7 : memref<128x128xf32, #tpu.memory_space<vmem>>) target(%dma_start3A_25 : memref<10240x128xf32, #tpu.memory_space<vmem_shared>>) offsets(%arg6 : memref<128xi32, #tpu.memory_space<vmem>>) semaphore(%run_scoped3A : memref<!tpu.dma_semaphore, #tpu.memory_space<semaphore_mem>>) {add = true}
        %dma_wait3A = arith.constant 0 : i32
        %dma_wait3A_26 = arith.constant 0 : i32
        %dma_wait3A_27 = tpu.memref_slice %arg8[%dma_wait3A, %dma_wait3A_26] : memref<10240x128xf32, #tpu.memory_space<vmem_shared>> -> memref<10240x128xf32, #tpu.memory_space<vmem_shared>>
        tpu.wait_indirect_dma semaphore(%run_scoped3A : memref<!tpu.dma_semaphore, #tpu.memory_space<semaphore_mem>>) src(%arg7 : memref<128x128xf32, #tpu.memory_space<vmem>>) dst(%dma_wait3A_27 : memref<10240x128xf32, #tpu.memory_space<vmem_shared>>)
        tpu.yield
      }) : () -> ()
      %scan3A_23 = arith.constant 0 : i32
      scf.yield %scan3A_23 : i32
    }
    %scan3A_12 = arith.constant 80 : i32
    %barrier3A_13 = arith.constant 0 : index
    tpu.barrier barrier_id(%barrier3A_13)
    %mul3A_14 = arith.constant 640 : i32
    %mul3A_15 = arith.muli %arg1, %mul3A_14 : i32
    %mul3A_16 = arith.constant 640 : i32
    %mul3A_17 = arith.muli %arg1, %mul3A_16 : i32
    "tpu.region"() ({
      %run_scoped3A = tpu.sem_alloc : memref<!tpu.dma_semaphore, #tpu.memory_space<semaphore_mem>>
      %dma_start3A = arith.constant 0 : i32
      %dma_start3A_18 = tpu.memref_slice %arg5[%arg0, %mul3A_17, %dma_start3A] : memref<2x10240x128xf32, #tpu.memory_space<hbm>> -> memref<1x640x128xf32, #tpu.memory_space<hbm>>
      %dma_start3A_19 = tpu.memref_squeeze %dma_start3A_18 : memref<1x640x128xf32, #tpu.memory_space<hbm>> -> memref<640x128xf32, #tpu.memory_space<hbm>>
      %dma_start3A_20 = arith.constant 0 : i32
      %dma_start3A_21 = tpu.memref_slice %arg8[%mul3A_15, %dma_start3A_20] : memref<10240x128xf32, #tpu.memory_space<vmem_shared>> -> memref<640x128xf32, #tpu.memory_space<vmem_shared>>
      tpu.enqueue_dma source(%dma_start3A_21 : memref<640x128xf32, #tpu.memory_space<vmem_shared>>) target(%dma_start3A_19 : memref<640x128xf32, #tpu.memory_space<hbm>>) target_semaphore(%run_scoped3A : memref<!tpu.dma_semaphore, #tpu.memory_space<semaphore_mem>>)
      %dma_wait3A = arith.constant 0 : i32
      %dma_wait3A_22 = tpu.memref_slice %arg5[%arg0, %mul3A_17, %dma_wait3A] : memref<2x10240x128xf32, #tpu.memory_space<hbm>> -> memref<1x640x128xf32, #tpu.memory_space<hbm>>
      %dma_wait3A_23 = tpu.memref_squeeze %dma_wait3A_22 : memref<1x640x128xf32, #tpu.memory_space<hbm>> -> memref<640x128xf32, #tpu.memory_space<hbm>>
      %dma_wait3A_24 = arith.constant 0 : i32
      %dma_wait3A_25 = tpu.memref_slice %arg8[%mul3A_15, %dma_wait3A_24] : memref<10240x128xf32, #tpu.memory_space<vmem_shared>> -> memref<640x128xf32, #tpu.memory_space<vmem_shared>>
      tpu.wait_dma2 semaphore(%run_scoped3A : memref<!tpu.dma_semaphore, #tpu.memory_space<semaphore_mem>>) src(%dma_wait3A_25 : memref<640x128xf32, #tpu.memory_space<vmem_shared>>) dst(%dma_wait3A_23 : memref<640x128xf32, #tpu.memory_space<hbm>>)
      tpu.yield
    }) : () -> ()
    return
  }
}

module attributes {stable_mosaic.version = 14 : i64} {
  func.func @_scale_body(%arg0: i32, %arg1: memref<2560x256xf32, #tpu.memory_space<vmem>>, %arg2: memref<2x2560x16xf32, #tpu.memory_space<vmem>>, %arg3: memref<2x2560x128xf32, #tpu.memory_space<vmem>>) attributes {dimension_semantics = [#tpu.dimension_semantics<arbitrary>], iteration_bounds = array<i64: 4>, scalar_prefetch = 0 : i64, scratch_operands = 0 : i64, tpu.core_type = #tpu.core_type<tc>, window_params = [{transform_indices = @transform_0, window_bounds = array<i64: 2560, 256>}, {transform_indices = @transform_1, window_bounds = array<i64: 2, 2560, 16>}, {transform_indices = @transform_2, window_bounds = array<i64: 2, 2560, 128>}]} {
    %get3A = arith.constant 0 : index
    %get3A_0 = arith.constant 0 : index
    %get3A_1 = vector.load %arg1[%get3A, %get3A_0] : memref<2560x256xf32, #tpu.memory_space<vmem>>, vector<2560x256xf32>
    %get3A_2 = arith.constant 0 : index
    %get3A_3 = arith.constant 0 : index
    %get3A_4 = arith.constant 0 : index
    %get3A_5 = vector.load %arg2[%get3A_2, %get3A_3, %get3A_4] : memref<2x2560x16xf32, #tpu.memory_space<vmem>>, vector<1x2560x16xf32>
    %get3A_6 = vector.shape_cast %get3A_5 : vector<1x2560x16xf32> to vector<2560x16xf32>
    %slice3A = vector.extract_strided_slice %get3A_6 {offsets = [0, 0], sizes = [2560, 1], strides = [1, 1]} : vector<2560x16xf32> to vector<2560x1xf32>
    %get3A_7 = arith.constant 1 : index
    %get3A_8 = arith.constant 0 : index
    %get3A_9 = arith.constant 0 : index
    %get3A_10 = vector.load %arg2[%get3A_7, %get3A_8, %get3A_9] : memref<2x2560x16xf32, #tpu.memory_space<vmem>>, vector<1x2560x16xf32>
    %get3A_11 = vector.shape_cast %get3A_10 : vector<1x2560x16xf32> to vector<2560x16xf32>
    %slice3A_12 = vector.extract_strided_slice %get3A_11 {offsets = [0, 0], sizes = [2560, 1], strides = [1, 1]} : vector<2560x16xf32> to vector<2560x1xf32>
    %add3A = arith.addf %slice3A, %slice3A_12 : vector<2560x1xf32>
    %add3A_13 = arith.constant 1.000000e+00 : f32
    %add3A_14 = vector.broadcast %add3A_13 : f32 to vector<2560x1xf32>
    %add3A_15 = arith.addf %add3A, %add3A_14 : vector<2560x1xf32>
    %rsqrt3A = math.rsqrt %add3A_15 : vector<2560x1xf32>
    %mul3A = vector.broadcast %rsqrt3A : vector<2560x1xf32> to vector<2560x256xf32>
    %mul3A_16 = arith.mulf %get3A_1, %mul3A : vector<2560x256xf32>
    %slice3A_17 = vector.extract_strided_slice %mul3A_16 {offsets = [0, 0], sizes = [2560, 128], strides = [1, 1]} : vector<2560x256xf32> to vector<2560x128xf32>
    %swap3A = arith.constant 0 : index
    %swap3A_18 = arith.constant 0 : index
    %swap3A_19 = arith.constant 0 : index
    %swap3A_20 = vector.load %arg3[%swap3A, %swap3A_18, %swap3A_19] : memref<2x2560x128xf32, #tpu.memory_space<vmem>>, vector<1x2560x128xf32>
    %swap3A_21 = vector.shape_cast %swap3A_20 : vector<1x2560x128xf32> to vector<2560x128xf32>
    %swap3A_22 = vector.shape_cast %slice3A_17 : vector<2560x128xf32> to vector<1x2560x128xf32>
    tpu.vector_store %arg3[%swap3A, %swap3A_18, %swap3A_19], %swap3A_22 {strides = array<i32>} : memref<2x2560x128xf32, #tpu.memory_space<vmem>>, vector<1x2560x128xf32>,
    %slice3A_23 = vector.extract_strided_slice %mul3A_16 {offsets = [0, 128], sizes = [2560, 128], strides = [1, 1]} : vector<2560x256xf32> to vector<2560x128xf32>
    %swap3A_24 = arith.constant 1 : index
    %swap3A_25 = arith.constant 0 : index
    %swap3A_26 = arith.constant 0 : index
    %swap3A_27 = vector.load %arg3[%swap3A_24, %swap3A_25, %swap3A_26] : memref<2x2560x128xf32, #tpu.memory_space<vmem>>, vector<1x2560x128xf32>
    %swap3A_28 = vector.shape_cast %swap3A_27 : vector<1x2560x128xf32> to vector<2560x128xf32>
    %swap3A_29 = vector.shape_cast %slice3A_23 : vector<2560x128xf32> to vector<1x2560x128xf32>
    tpu.vector_store %arg3[%swap3A_24, %swap3A_25, %swap3A_26], %swap3A_29 {strides = array<i32>} : memref<2x2560x128xf32, #tpu.memory_space<vmem>>, vector<1x2560x128xf32>,
    return
  }
  func.func @transform_0(%arg0: i32) -> (i32, i32) {
    %c0_i32 = arith.constant 0 : i32
    %c0_i32_0 = arith.constant 0 : i32
    return %arg0, %c0_i32 : i32, i32
  }
  func.func @transform_1(%arg0: i32) -> (i32, i32, i32) {
    %c0_i32 = arith.constant 0 : i32
    %c0_i32_0 = arith.constant 0 : i32
    %c0_i32_1 = arith.constant 0 : i32
    return %c0_i32, %arg0, %c0_i32_0 : i32, i32, i32
  }
  func.func @transform_2(%arg0: i32) -> (i32, i32, i32) {
    %c0_i32 = arith.constant 0 : i32
    %c0_i32_0 = arith.constant 0 : i32
    %c0_i32_1 = arith.constant 0 : i32
    return %c0_i32, %arg0, %c0_i32_0 : i32, i32, i32
  }
}

module attributes {stable_mosaic.version = 14 : i64} {
  func.func @_mid_body(%arg0: i32, %arg1: memref<2x2560x128xf32, #tpu.memory_space<vmem>>, %arg2: memref<2x2560x16xf32, #tpu.memory_space<vmem>>, %arg3: memref<256x512xf32, #tpu.memory_space<vmem>>, %arg4: memref<1x512xf32, #tpu.memory_space<vmem>>, %arg5: memref<512x256xf32, #tpu.memory_space<vmem>>, %arg6: memref<2x2560x128xf32, #tpu.memory_space<vmem>>) attributes {dimension_semantics = [#tpu.dimension_semantics<arbitrary>], iteration_bounds = array<i64: 4>, scalar_prefetch = 0 : i64, scratch_operands = 0 : i64, tpu.core_type = #tpu.core_type<tc>, window_params = [{transform_indices = @transform_0, window_bounds = array<i64: 2, 2560, 128>}, {transform_indices = @transform_1, window_bounds = array<i64: 2, 2560, 16>}, {pipeline_mode = #tpu.pipeline_mode<synchronous>, transform_indices = @transform_2, window_bounds = array<i64: 256, 512>}, {pipeline_mode = #tpu.pipeline_mode<synchronous>, transform_indices = @transform_3, window_bounds = array<i64: 1, 512>}, {pipeline_mode = #tpu.pipeline_mode<synchronous>, transform_indices = @transform_4, window_bounds = array<i64: 512, 256>}, {transform_indices = @transform_5, window_bounds = array<i64: 2, 2560, 128>}]} {
    %get3A = arith.constant 0 : index
    %get3A_0 = arith.constant 0 : index
    %get3A_1 = arith.constant 0 : index
    %get3A_2 = vector.load %arg2[%get3A, %get3A_0, %get3A_1] : memref<2x2560x16xf32, #tpu.memory_space<vmem>>, vector<1x2560x16xf32>
    %get3A_3 = vector.shape_cast %get3A_2 : vector<1x2560x16xf32> to vector<2560x16xf32>
    %slice3A = vector.extract_strided_slice %get3A_3 {offsets = [0, 0], sizes = [2560, 1], strides = [1, 1]} : vector<2560x16xf32> to vector<2560x1xf32>
    %get3A_4 = arith.constant 1 : index
    %get3A_5 = arith.constant 0 : index
    %get3A_6 = arith.constant 0 : index
    %get3A_7 = vector.load %arg2[%get3A_4, %get3A_5, %get3A_6] : memref<2x2560x16xf32, #tpu.memory_space<vmem>>, vector<1x2560x16xf32>
    %get3A_8 = vector.shape_cast %get3A_7 : vector<1x2560x16xf32> to vector<2560x16xf32>
    %slice3A_9 = vector.extract_strided_slice %get3A_8 {offsets = [0, 0], sizes = [2560, 1], strides = [1, 1]} : vector<2560x16xf32> to vector<2560x1xf32>
    %add3A = arith.addf %slice3A, %slice3A_9 : vector<2560x1xf32>
    %add3A_10 = arith.constant 1.000000e+00 : f32
    %add3A_11 = vector.broadcast %add3A_10 : f32 to vector<2560x1xf32>
    %add3A_12 = arith.addf %add3A, %add3A_11 : vector<2560x1xf32>
    %rsqrt3A = math.rsqrt %add3A_12 : vector<2560x1xf32>
    %get3A_13 = arith.constant 0 : index
    %get3A_14 = arith.constant 0 : index
    %get3A_15 = arith.constant 0 : index
    %get3A_16 = vector.load %arg1[%get3A_13, %get3A_14, %get3A_15] : memref<2x2560x128xf32, #tpu.memory_space<vmem>>, vector<1x2560x128xf32>
    %get3A_17 = vector.shape_cast %get3A_16 : vector<1x2560x128xf32> to vector<2560x128xf32>
    %get3A_18 = arith.constant 1 : index
    %get3A_19 = arith.constant 0 : index
    %get3A_20 = arith.constant 0 : index
    %get3A_21 = vector.load %arg1[%get3A_18, %get3A_19, %get3A_20] : memref<2x2560x128xf32, #tpu.memory_space<vmem>>, vector<1x2560x128xf32>
    %get3A_22 = vector.shape_cast %get3A_21 : vector<1x2560x128xf32> to vector<2560x128xf32>
    %concatenate3A = tpu.concatenate %get3A_17, %get3A_22 in 1 : vector<2560x128xf32>, vector<2560x128xf32> -> vector<2560x256xf32>
    %mul3A = vector.broadcast %rsqrt3A : vector<2560x1xf32> to vector<2560x256xf32>
    %mul3A_23 = arith.mulf %concatenate3A, %mul3A : vector<2560x256xf32>
    %get3A_24 = arith.constant 0 : index
    %get3A_25 = arith.constant 0 : index
    %get3A_26 = vector.load %arg3[%get3A_24, %get3A_25] : memref<256x512xf32, #tpu.memory_space<vmem>>, vector<256x512xf32>
    %dot_general3A = arith.constant dense<0.000000e+00> : vector<2560x512xf32>
    %dot_general3A_27 = tpu.matmul %mul3A_23, %get3A_26, %dot_general3A {dimension_numbers = #tpu.dot_dimension_numbers<[1], [0], [0], [1], [0, 0, 1, 1], [], []>, transpose_lhs_hint = false} : vector<2560x256xf32>, vector<256x512xf32>, vector<2560x512xf32> -> vector<2560x512xf32>
    %get3A_28 = arith.constant 0 : index
    %get3A_29 = arith.constant 0 : index
    %get3A_30 = vector.load %arg4[%get3A_28, %get3A_29] : memref<1x512xf32, #tpu.memory_space<vmem>>, vector<1x512xf32>
    %add3A_31 = vector.broadcast %get3A_30 : vector<1x512xf32> to vector<2560x512xf32>
    %add3A_32 = arith.addf %dot_general3A_27, %add3A_31 : vector<2560x512xf32>
    %max3A = arith.constant 0.000000e+00 : f32
    %max3A_33 = vector.broadcast %max3A : f32 to vector<2560x512xf32>
    %max3A_34 = arith.maximumf %add3A_32, %max3A_33 : vector<2560x512xf32>
    %get3A_35 = arith.constant 0 : index
    %get3A_36 = arith.constant 0 : index
    %get3A_37 = vector.load %arg5[%get3A_35, %get3A_36] : memref<512x256xf32, #tpu.memory_space<vmem>>, vector<512x256xf32>
    %dot_general3A_38 = arith.constant dense<0.000000e+00> : vector<2560x256xf32>
    %dot_general3A_39 = tpu.matmul %max3A_34, %get3A_37, %dot_general3A_38 {dimension_numbers = #tpu.dot_dimension_numbers<[1], [0], [0], [1], [0, 0, 1, 1], [], []>, transpose_lhs_hint = false} : vector<2560x512xf32>, vector<512x256xf32>, vector<2560x256xf32> -> vector<2560x256xf32>
    %mul3A_40 = vector.broadcast %rsqrt3A : vector<2560x1xf32> to vector<2560x256xf32>
    %mul3A_41 = arith.mulf %dot_general3A_39, %mul3A_40 : vector<2560x256xf32>
    %slice3A_42 = vector.extract_strided_slice %mul3A_41 {offsets = [0, 0], sizes = [2560, 128], strides = [1, 1]} : vector<2560x256xf32> to vector<2560x128xf32>
    %swap3A = arith.constant 0 : index
    %swap3A_43 = arith.constant 0 : index
    %swap3A_44 = arith.constant 0 : index
    %swap3A_45 = vector.load %arg6[%swap3A, %swap3A_43, %swap3A_44] : memref<2x2560x128xf32, #tpu.memory_space<vmem>>, vector<1x2560x128xf32>
    %swap3A_46 = vector.shape_cast %swap3A_45 : vector<1x2560x128xf32> to vector<2560x128xf32>
    %swap3A_47 = vector.shape_cast %slice3A_42 : vector<2560x128xf32> to vector<1x2560x128xf32>
    tpu.vector_store %arg6[%swap3A, %swap3A_43, %swap3A_44], %swap3A_47 {strides = array<i32>} : memref<2x2560x128xf32, #tpu.memory_space<vmem>>, vector<1x2560x128xf32>,
    %slice3A_48 = vector.extract_strided_slice %mul3A_41 {offsets = [0, 128], sizes = [2560, 128], strides = [1, 1]} : vector<2560x256xf32> to vector<2560x128xf32>
    %swap3A_49 = arith.constant 1 : index
    %swap3A_50 = arith.constant 0 : index
    %swap3A_51 = arith.constant 0 : index
    %swap3A_52 = vector.load %arg6[%swap3A_49, %swap3A_50, %swap3A_51] : memref<2x2560x128xf32, #tpu.memory_space<vmem>>, vector<1x2560x128xf32>
    %swap3A_53 = vector.shape_cast %swap3A_52 : vector<1x2560x128xf32> to vector<2560x128xf32>
    %swap3A_54 = vector.shape_cast %slice3A_48 : vector<2560x128xf32> to vector<1x2560x128xf32>
    tpu.vector_store %arg6[%swap3A_49, %swap3A_50, %swap3A_51], %swap3A_54 {strides = array<i32>} : memref<2x2560x128xf32, #tpu.memory_space<vmem>>, vector<1x2560x128xf32>,
    return
  }
  func.func @transform_0(%arg0: i32) -> (i32, i32, i32) {
    %c0_i32 = arith.constant 0 : i32
    %c0_i32_0 = arith.constant 0 : i32
    %c0_i32_1 = arith.constant 0 : i32
    return %c0_i32, %arg0, %c0_i32_0 : i32, i32, i32
  }
  func.func @transform_1(%arg0: i32) -> (i32, i32, i32) {
    %c0_i32 = arith.constant 0 : i32
    %c0_i32_0 = arith.constant 0 : i32
    %c0_i32_1 = arith.constant 0 : i32
    return %c0_i32, %arg0, %c0_i32_0 : i32, i32, i32
  }
  func.func @transform_2(%arg0: i32) -> (i32, i32) {
    %c0_i32 = arith.constant 0 : i32
    %c0_i32_0 = arith.constant 0 : i32
    %c0_i32_1 = arith.constant 0 : i32
    return %c0_i32, %c0_i32_0 : i32, i32
  }
  func.func @transform_3(%arg0: i32) -> (i32, i32) {
    %c0_i32 = arith.constant 0 : i32
    %c0_i32_0 = arith.constant 0 : i32
    %c0_i32_1 = arith.constant 0 : i32
    return %c0_i32, %c0_i32_0 : i32, i32
  }
  func.func @transform_4(%arg0: i32) -> (i32, i32) {
    %c0_i32 = arith.constant 0 : i32
    %c0_i32_0 = arith.constant 0 : i32
    %c0_i32_1 = arith.constant 0 : i32
    return %c0_i32, %c0_i32_0 : i32, i32
  }
  func.func @transform_5(%arg0: i32) -> (i32, i32, i32) {
    %c0_i32 = arith.constant 0 : i32
    %c0_i32_0 = arith.constant 0 : i32
    %c0_i32_1 = arith.constant 0 : i32
    return %c0_i32, %arg0, %c0_i32_0 : i32, i32, i32
  }
}

module attributes {stable_mosaic.version = 14 : i64} {
  func.func @_dec_body(%arg0: i32, %arg1: memref<2x2560x128xf32, #tpu.memory_space<vmem>>, %arg2: memref<2x2560x16xf32, #tpu.memory_space<vmem>>, %arg3: memref<1x256xf32, #tpu.memory_space<vmem>>, %arg4: memref<256x512xf32, #tpu.memory_space<vmem>>, %arg5: memref<1x512xf32, #tpu.memory_space<vmem>>, %arg6: memref<512x256xf32, #tpu.memory_space<vmem>>, %arg7: memref<1x256xf32, #tpu.memory_space<vmem>>, %arg8: memref<2560x256xf32, #tpu.memory_space<vmem>>, %arg9: memref<2560x256xf32, #tpu.memory_space<vmem>>) attributes {dimension_semantics = [#tpu.dimension_semantics<arbitrary>], iteration_bounds = array<i64: 4>, scalar_prefetch = 0 : i64, scratch_operands = 0 : i64, tpu.core_type = #tpu.core_type<tc>, window_params = [{transform_indices = @transform_0, window_bounds = array<i64: 2, 2560, 128>}, {transform_indices = @transform_1, window_bounds = array<i64: 2, 2560, 16>}, {pipeline_mode = #tpu.pipeline_mode<synchronous>, transform_indices = @transform_2, window_bounds = array<i64: 1, 256>}, {pipeline_mode = #tpu.pipeline_mode<synchronous>, transform_indices = @transform_3, window_bounds = array<i64: 256, 512>}, {pipeline_mode = #tpu.pipeline_mode<synchronous>, transform_indices = @transform_4, window_bounds = array<i64: 1, 512>}, {pipeline_mode = #tpu.pipeline_mode<synchronous>, transform_indices = @transform_5, window_bounds = array<i64: 512, 256>}, {pipeline_mode = #tpu.pipeline_mode<synchronous>, transform_indices = @transform_6, window_bounds = array<i64: 1, 256>}, {transform_indices = @transform_7, window_bounds = array<i64: 2560, 256>}, {transform_indices = @transform_8, window_bounds = array<i64: 2560, 256>}]} {
    %get3A = arith.constant 0 : index
    %get3A_0 = arith.constant 0 : index
    %get3A_1 = arith.constant 0 : index
    %get3A_2 = vector.load %arg2[%get3A, %get3A_0, %get3A_1] : memref<2x2560x16xf32, #tpu.memory_space<vmem>>, vector<1x2560x16xf32>
    %get3A_3 = vector.shape_cast %get3A_2 : vector<1x2560x16xf32> to vector<2560x16xf32>
    %slice3A = vector.extract_strided_slice %get3A_3 {offsets = [0, 0], sizes = [2560, 1], strides = [1, 1]} : vector<2560x16xf32> to vector<2560x1xf32>
    %get3A_4 = arith.constant 1 : index
    %get3A_5 = arith.constant 0 : index
    %get3A_6 = arith.constant 0 : index
    %get3A_7 = vector.load %arg2[%get3A_4, %get3A_5, %get3A_6] : memref<2x2560x16xf32, #tpu.memory_space<vmem>>, vector<1x2560x16xf32>
    %get3A_8 = vector.shape_cast %get3A_7 : vector<1x2560x16xf32> to vector<2560x16xf32>
    %slice3A_9 = vector.extract_strided_slice %get3A_8 {offsets = [0, 0], sizes = [2560, 1], strides = [1, 1]} : vector<2560x16xf32> to vector<2560x1xf32>
    %add3A = arith.addf %slice3A, %slice3A_9 : vector<2560x1xf32>
    %add3A_10 = arith.constant 1.000000e+00 : f32
    %add3A_11 = vector.broadcast %add3A_10 : f32 to vector<2560x1xf32>
    %add3A_12 = arith.addf %add3A, %add3A_11 : vector<2560x1xf32>
    %rsqrt3A = math.rsqrt %add3A_12 : vector<2560x1xf32>
    %get3A_13 = arith.constant 0 : index
    %get3A_14 = arith.constant 0 : index
    %get3A_15 = arith.constant 0 : index
    %get3A_16 = vector.load %arg1[%get3A_13, %get3A_14, %get3A_15] : memref<2x2560x128xf32, #tpu.memory_space<vmem>>, vector<1x2560x128xf32>
    %get3A_17 = vector.shape_cast %get3A_16 : vector<1x2560x128xf32> to vector<2560x128xf32>
    %get3A_18 = arith.constant 1 : index
    %get3A_19 = arith.constant 0 : index
    %get3A_20 = arith.constant 0 : index
    %get3A_21 = vector.load %arg1[%get3A_18, %get3A_19, %get3A_20] : memref<2x2560x128xf32, #tpu.memory_space<vmem>>, vector<1x2560x128xf32>
    %get3A_22 = vector.shape_cast %get3A_21 : vector<1x2560x128xf32> to vector<2560x128xf32>
    %concatenate3A = tpu.concatenate %get3A_17, %get3A_22 in 1 : vector<2560x128xf32>, vector<2560x128xf32> -> vector<2560x256xf32>
    %mul3A = vector.broadcast %rsqrt3A : vector<2560x1xf32> to vector<2560x256xf32>
    %mul3A_23 = arith.mulf %concatenate3A, %mul3A : vector<2560x256xf32>
    %get3A_24 = arith.constant 0 : index
    %get3A_25 = arith.constant 0 : index
    %get3A_26 = vector.load %arg3[%get3A_24, %get3A_25] : memref<1x256xf32, #tpu.memory_space<vmem>>, vector<1x256xf32>
    %add3A_27 = vector.broadcast %get3A_26 : vector<1x256xf32> to vector<2560x256xf32>
    %add3A_28 = arith.addf %mul3A_23, %add3A_27 : vector<2560x256xf32>
    %swap3A = arith.constant 0 : index
    %swap3A_29 = arith.constant 0 : index
    %swap3A_30 = vector.load %arg9[%swap3A, %swap3A_29] : memref<2560x256xf32, #tpu.memory_space<vmem>>, vector<2560x256xf32>
    tpu.vector_store %arg9[%swap3A, %swap3A_29], %add3A_28 {strides = array<i32>} : memref<2560x256xf32, #tpu.memory_space<vmem>>, vector<2560x256xf32>,
    %get3A_31 = arith.constant 0 : index
    %get3A_32 = arith.constant 0 : index
    %get3A_33 = vector.load %arg4[%get3A_31, %get3A_32] : memref<256x512xf32, #tpu.memory_space<vmem>>, vector<256x512xf32>
    %dot_general3A = arith.constant dense<0.000000e+00> : vector<2560x512xf32>
    %dot_general3A_34 = tpu.matmul %add3A_28, %get3A_33, %dot_general3A {dimension_numbers = #tpu.dot_dimension_numbers<[1], [0], [0], [1], [0, 0, 1, 1], [], []>, transpose_lhs_hint = false} : vector<2560x256xf32>, vector<256x512xf32>, vector<2560x512xf32> -> vector<2560x512xf32>
    %get3A_35 = arith.constant 0 : index
    %get3A_36 = arith.constant 0 : index
    %get3A_37 = vector.load %arg5[%get3A_35, %get3A_36] : memref<1x512xf32, #tpu.memory_space<vmem>>, vector<1x512xf32>
    %add3A_38 = vector.broadcast %get3A_37 : vector<1x512xf32> to vector<2560x512xf32>
    %add3A_39 = arith.addf %dot_general3A_34, %add3A_38 : vector<2560x512xf32>
    %max3A = arith.constant 0.000000e+00 : f32
    %max3A_40 = vector.broadcast %max3A : f32 to vector<2560x512xf32>
    %max3A_41 = arith.maximumf %add3A_39, %max3A_40 : vector<2560x512xf32>
    %get3A_42 = arith.constant 0 : index
    %get3A_43 = arith.constant 0 : index
    %get3A_44 = vector.load %arg6[%get3A_42, %get3A_43] : memref<512x256xf32, #tpu.memory_space<vmem>>, vector<512x256xf32>
    %dot_general3A_45 = arith.constant dense<0.000000e+00> : vector<2560x256xf32>
    %dot_general3A_46 = tpu.matmul %max3A_41, %get3A_44, %dot_general3A_45 {dimension_numbers = #tpu.dot_dimension_numbers<[1], [0], [0], [1], [0, 0, 1, 1], [], []>, transpose_lhs_hint = false} : vector<2560x512xf32>, vector<512x256xf32>, vector<2560x256xf32> -> vector<2560x256xf32>
    %get3A_47 = arith.constant 0 : index
    %get3A_48 = arith.constant 0 : index
    %get3A_49 = vector.load %arg7[%get3A_47, %get3A_48] : memref<1x256xf32, #tpu.memory_space<vmem>>, vector<1x256xf32>
    %add3A_50 = vector.broadcast %get3A_49 : vector<1x256xf32> to vector<2560x256xf32>
    %add3A_51 = arith.addf %dot_general3A_46, %add3A_50 : vector<2560x256xf32>
    %swap3A_52 = arith.constant 0 : index
    %swap3A_53 = arith.constant 0 : index
    %swap3A_54 = vector.load %arg8[%swap3A_52, %swap3A_53] : memref<2560x256xf32, #tpu.memory_space<vmem>>, vector<2560x256xf32>
    tpu.vector_store %arg8[%swap3A_52, %swap3A_53], %add3A_51 {strides = array<i32>} : memref<2560x256xf32, #tpu.memory_space<vmem>>, vector<2560x256xf32>,
    return
  }
  func.func @transform_0(%arg0: i32) -> (i32, i32, i32) {
    %c0_i32 = arith.constant 0 : i32
    %c0_i32_0 = arith.constant 0 : i32
    %c0_i32_1 = arith.constant 0 : i32
    return %c0_i32, %arg0, %c0_i32_0 : i32, i32, i32
  }
  func.func @transform_1(%arg0: i32) -> (i32, i32, i32) {
    %c0_i32 = arith.constant 0 : i32
    %c0_i32_0 = arith.constant 0 : i32
    %c0_i32_1 = arith.constant 0 : i32
    return %c0_i32, %arg0, %c0_i32_0 : i32, i32, i32
  }
  func.func @transform_2(%arg0: i32) -> (i32, i32) {
    %c0_i32 = arith.constant 0 : i32
    %c0_i32_0 = arith.constant 0 : i32
    %c0_i32_1 = arith.constant 0 : i32
    return %c0_i32, %c0_i32_0 : i32, i32
  }
  func.func @transform_3(%arg0: i32) -> (i32, i32) {
    %c0_i32 = arith.constant 0 : i32
    %c0_i32_0 = arith.constant 0 : i32
    %c0_i32_1 = arith.constant 0 : i32
    return %c0_i32, %c0_i32_0 : i32, i32
  }
  func.func @transform_4(%arg0: i32) -> (i32, i32) {
    %c0_i32 = arith.constant 0 : i32
    %c0_i32_0 = arith.constant 0 : i32
    %c0_i32_1 = arith.constant 0 : i32
    return %c0_i32, %c0_i32_0 : i32, i32
  }
  func.func @transform_5(%arg0: i32) -> (i32, i32) {
    %c0_i32 = arith.constant 0 : i32
    %c0_i32_0 = arith.constant 0 : i32
    %c0_i32_1 = arith.constant 0 : i32
    return %c0_i32, %c0_i32_0 : i32, i32
  }
  func.func @transform_6(%arg0: i32) -> (i32, i32) {
    %c0_i32 = arith.constant 0 : i32
    %c0_i32_0 = arith.constant 0 : i32
    %c0_i32_1 = arith.constant 0 : i32
    return %c0_i32, %c0_i32_0 : i32, i32
  }
  func.func @transform_7(%arg0: i32) -> (i32, i32) {
    %c0_i32 = arith.constant 0 : i32
    %c0_i32_0 = arith.constant 0 : i32
    return %arg0, %c0_i32 : i32, i32
  }
  func.func @transform_8(%arg0: i32) -> (i32, i32) {
    %c0_i32 = arith.constant 0 : i32
    %c0_i32_0 = arith.constant 0 : i32
    return %arg0, %c0_i32 : i32, i32
  }
}

</mosaic_0001>

<sc_bundles>
// kernel: kernel.11.cloned.1.call-start
scs
__scs_entry_jumppad:
0x0: {  	(pc) =	sbr.rel $0x88, $3  }
0x1: {  	(tag) =	ssettag $0x0;
	lr =	simm.s32 $0x1  }
0x2: {  	[smem:$0x3F97] =	sst lr;
	_ =	strace $0xD0000000  }
0x3: {  	_ = 	snop  }
0x4: {  	_ = 	snop  }
0x5: {  	_ = 	snop  }
0x6: {  	_ = 	snop  }
0x7: {  	_ = 	snop  }
__scs_overlays_trampoline_lowered:
0x8: {  	[smem:$0x3FA6] =	sst s0  }
0x9: {  	[smem:$0x3FA7] =	sst s1  }
0xa: {  	[smem:$0x3FA8] =	sst s2  }
0xb: {  	[smem:$0x3FA9] =	sst s3  }
0xc: {  	[smem:$0x3FAA] =	sst s4  }
0xd: {  	[smem:$0x3FAB] =	sst s5  }
0xe: {  	[smem:$0x3FAC] =	sst s6  }
0xf: {  	[smem:$0x3FAD] =	sst s7  }
0x10: {  	[smem:$0x3FAE] =	sst s8  }
0x11: {  	[smem:$0x3FAF] =	sst s9;
	s0 =	simm.s32 @!p0 $0x0  }
0x12: {  	s1 =	sld [smem:$0x3F95];
	s0 =	simm.s32 @p0 $0x1  }
0x13: {  	[smem:$0x3FB0] =	sst s0;
	s0 =	simm.s32 @!p1 $0x0  }
0x14: {  	s2 =	sld [smem:$0x3F94];
	s0 =	simm.s32 @p1 $0x1  }
0x15: {  	[smem:$0x3FB1] =	sst s0;
	s0 =	simm.s32 @!p2 $0x0  }
0x16: {  	s3 =	sld [smem:$0x3FDB];
	s0 =	simm.s32 @p2 $0x1  }
0x17: {  	s4 =	simm.s32 $0x1BF5;
	[smem:$0x3FB3] =	sst s0  }
0x18: {  	s0 =	sld [smem:$0x3F96];
	_ =	swait.ge [sflag:s4], $0x0  }
0x19: {  	s7 =	sld [smem:$0x3F97]  }
0x1a: {  	s8 =	sadd.s32 $0xFFFFE003, lr  }
0x1b: {  	s9 =	sadd.s32 $0xFFFFFEF7, lr;
	s5 =	simm.s32 $0xFFFFFFFF;
	p2 =	slt.u32 s8, $0xFFFFF086  }
0x1c: {  	p1 =	slt.u32 s9, $0xF7A;
	s5 =	simm.s32 @!p2 $0x0  }
0x1d: {  	s5 =	simm.s32 @p1 $0x1;
	p0 =	seq.s32 s7, s2  }
0x1e: {  	s7 =	smul.u32 @!p0 $0xF7A, s2;
	p2 =	seq.s32 @!p0 s5, $0x0  }
0x1f: {  	s9 =	smul.u32 $0xF7A, s1;
	s8 =	simm.s32 @!p0 $0x1BF5;
	p2 =	por !p2, p0  }
0x20: {  	[sflag:s8] =	ssyncset.s32 @!p0 $0xFFFFF086;
	s6 =	sadd.s32 @!p0 s3, s7;
	s7 =	simm.s32 @!p0 $0x108  }
0x21: {  	s3 =	sadd.s32 s3, s9;
	s6 =	sadd.s32 @!p0 $0x88, s6;
	s7 =	simm.s32 @p2 $0x1082  }
0x22: {  	[simem:s7], [sflag:s8] =	dma.local @!p0 [hbm:s6], $0xF7A  }
0x23: {  	s9 =	sor.u32 $0xD0000000, s2;
	s6 =	simm.s32 $0x108;
	_ =	swait.ge @!p0 [sflag:s8], $0x0  }
0x24: {  	s3 =	sadd.s32 $0x88, s3;
	s6 =	simm.s32 @!p1 $0x1082;
	[sflag:s4] =	ssyncset.s32 $0xFFFFF086  }
0x25: {  	[simem:s6], [sflag:s4] =	dma.local [hbm:s3], $0xF7A  }
0x26: {  	[smem:$0x3F97] =	sst s1;
	(tag) =	ssettag s2;
	_ =	strace s9  }
0x27: {  	s1 =	sld [smem:$0x3FA7]  }
0x28: {  	s2 =	sld [smem:$0x3FA8]  }
0x29: {  	s4 =	sld [smem:$0x3FAA]  }
0x2a: {  	p0 =	seq.s32 s5, $0x0;
	s5 =	sld [smem:$0x3FAB]  }
0x2b: {  	s6 =	sld [smem:$0x3FAC]  }
0x2c: {  	s7 =	sld [smem:$0x3FAD]  }
0x2d: {  	s3 =	simm.s32 $0x108;
	s8 =	sld [smem:$0x3FAE]  }
0x2e: {  	s3 =	simm.s32 @!p0 $0x1082;
	s9 =	sld [smem:$0x3FAF]  }
0x2f: {  	lr =	sadd.s32 s0, s3;
	s0 =	sld [smem:$0x3FA6]  }
0x30: {  	s3 =	sld [smem:$0x3FA9]  }
0x31: {  	[smem:$0x3FB2] =	sst s10  }
0x32: {  	s10 =	sld [smem:$0x3FB0];
	_ =	sdelay $0x3  }
0x33: {  	p0 =	seq.s32 s10, $0x1;
	s10 =	sld [smem:$0x3FB2];
	_ =	sdelay $0x3  }
0x34: {  	[smem:$0x3FB2] =	sst s10  }
0x35: {  	s10 =	sld [smem:$0x3FB1];
	_ =	sdelay $0x3  }
0x36: {  	p1 =	seq.s32 s10, $0x1;
	s10 =	sld [smem:$0x3FB2];
	_ =	sdelay $0x3  }
0x37: {  	[smem:$0x3FB2] =	sst s10  }
0x38: {  	s10 =	sld [smem:$0x3FB3]  }
0x39: {  	_ = 	snop;
	(pc) =	sbr.ind lr, $3  }
0x3a: {  	_ = 	snop  }
0x3b: {  	_ = 	snop  }
0x3c: {  	p2 =	seq.s32 s10, $0x1;
	s10 =	sld [smem:$0x3FB2]  }
0x3d: {  	_ =	shalt  }
0x3e: {  	_ =	shalt  }
0x3f: {  	_ =	shalt  }
0x40: {  	_ =	shalt  }
0x41: {  	_ =	shalt  }
0x42: {  	_ =	shalt  }
0x43: {  	_ =	shalt  }
0x44: {  	_ =	shalt  }
0x45: {  	_ =	shalt  }
0x46: {  	_ =	shalt  }
0x47: {  	_ =	shalt  }
0x48: {  	_ =	shalt  }
0x49: {  	_ =	shalt  }
0x4a: {  	_ =	shalt  }
0x4b: {  	_ =	shalt  }
0x4c: {  	_ =	shalt  }
0x4d: {  	_ =	shalt  }
0x4e: {  	_ =	shalt  }
0x4f: {  	_ =	shalt  }
0x50: {  	_ =	shalt  }
0x51: {  	_ =	shalt  }
0x52: {  	_ =	shalt  }
0x53: {  	_ =	shalt  }
0x54: {  	_ =	shalt  }
0x55: {  	_ =	shalt  }
0x56: {  	_ =	shalt  }
0x57: {  	_ =	shalt  }
0x58: {  	_ =	shalt  }
0x59: {  	_ =	shalt  }
0x5a: {  	_ =	shalt  }
0x5b: {  	_ =	shalt  }
0x5c: {  	_ =	shalt  }
0x5d: {  	_ =	shalt  }
0x5e: {  	_ =	shalt  }
0x5f: {  	_ =	shalt  }
0x60: {  	_ =	shalt  }
0x61: {  	_ =	shalt  }
0x62: {  	_ =	shalt  }
0x63: {  	_ =	shalt  }
0x64: {  	_ =	shalt  }
0x65: {  	_ =	shalt  }
0x66: {  	_ =	shalt  }
0x67: {  	_ =	shalt  }
0x68: {  	_ =	shalt  }
0x69: {  	_ =	shalt  }
0x6a: {  	_ =	shalt  }
0x6b: {  	_ =	shalt  }
0x6c: {  	_ =	shalt  }
0x6d: {  	_ =	shalt  }
0x6e: {  	_ =	shalt  }
0x6f: {  	_ =	shalt  }
0x70: {  	_ =	shalt  }
0x71: {  	_ =	shalt  }
0x72: {  	_ =	shalt  }
0x73: {  	_ =	shalt  }
0x74: {  	_ =	shalt  }
0x75: {  	_ =	shalt  }
0x76: {  	_ =	shalt  }
0x77: {  	_ =	shalt  }
0x78: {  	_ =	shalt  }
0x79: {  	_ =	shalt  }
0x7a: {  	_ =	shalt  }
0x7b: {  	_ =	shalt  }
0x7c: {  	_ =	shalt  }
0x7d: {  	_ =	shalt  }
0x7e: {  	_ =	shalt  }
0x7f: {  	_ =	shalt  }
0x80: {  	_ =	shalt  }
0x81: {  	_ =	shalt  }
0x82: {  	_ =	shalt  }
0x83: {  	_ =	shalt  }
0x84: {  	_ =	shalt  }
0x85: {  	_ =	shalt  }
0x86: {  	_ =	shalt  }
0x87: {  	_ =	shalt  }
.Lfunc_end0:
.L_simem_size_0:
called_computation.1_lowered:
.L_overlay_start_0:
0x88: {  	s2 =	sld [smem:$0x3FD9]  }
0x89: {  	s3 =	sld [smem:$0x3FFE];
	_ =	sdelay $0x1  }
0x8a: {  	s1 =	srdreg.scid  }
0x8b: {  	s0 =	sand.u32 $0x1, s1  }
0x8c: {  	s16 =	sshll.u32 s0, $0xA;
	s2 =	sadd.s32 s3, s2  }
0x8d: {  	s2 =	sadd.s32 s2, s16  }
0x8e: {  	[smem:$0x3FBE] =	sst s2  }
0x8f: {  	_ = 	snop  }
0x90: {  	(tm) =	ssettm $0x1  }
0x91: {  	s17 =	sld [smem:$0x3FFB];
	_ =	sdelay $0x3  }
0x92: {  	_ =	strace s17  }
0x93: {  	s2 =	sld [smem:$0x3FFC];
	_ =	sdelay $0x3  }
0x94: {  	_ =	strace s2  }
0x95: {  	s2 =	sld [smem:$0x3FFD];
	_ =	sdelay $0x3  }
0x96: {  	_ =	strace s2  }
0x97: {  	_ =	strace $0x8FFFFFFF  }
0x98: {  	s18 =	sld [smem:$0x3FDB];
	_ =	sdelay $0x1  }
0x99: {  	s19 =	simm.s32 $_scs_section_size  }
0x9a: {  	s4 =	simm.s32 $_size__tile_overlayer_lowered;
	s5 =	simm.s32 $_tile_overlayer_lowered  }
0x9b: {  	s22 =	simm.s32 $0x1BFF;
	s21 =	sshll.u32 s5, $0x1;
	s2 =	sadd.s32 s19, s18  }
0x9c: {  	s6 =	simm.s32 $0x0;
	s20 =	sshll.u32 s4, $0x1;
	s4 =	sadd.s32 s21, s2  }
0x9d: {  	[timem:s6], [sflag:s22] =	dma.local [hbm:s4], s20  }
0x9e: {  	_ =	swait.ge [sflag:s22], s20  }
0x9f: {  	s3 =	ssub.s32 $0x0, s20;
	[sflag:s22] =	ssyncset.done $0x0  }
0xa0: {  	[sflag:s22] =	ssyncadd.s32 s3;
	_ =	sdelay $0x1  }
0xa1: {  	s23 =	simm.s32 $0x1B8B  }
0xa2: {  	_ =	swait.ge [sflag:s23], $0x1  }
0xa3: {  	[sflag:s23] =	ssyncset.done $0x0  }
0xa4: {  	s25 =	simm.s32 $0x1B8E;
	s24 =	sld [smem:$0x3FFE];
	[sflag:s23] =	ssyncadd.s32 $0xFFFFFFFF  }
0xa5: {  	s26 =	simm.s32 $execute0_lowered;
	[smem:$0x3FD2] =	sst s25  }
0xa6: {  	s4 =	sshll.u32 s26, $0x1;
	_ =	strace $0x80000049;
	[dreg:$0x1] =	wrdreg $0xFFFFFFFF  }
0xa7: {  	s28 =	simm.s32 $_size_execute0_lowered;
	s2 =	sadd.s32 s2, s4;
	[dreg:$0x0] =	wrdreg $0x0  }
0xa8: {  	s4 =	sshll.u32 s28, $0x1;
	[dreg:$0x2] =	wrdreg s2  }
0xa9: {  	[dreg:$0x3] =	wrdreg s4  }
0xaa: {  	[dreg:$0x4] =	wrdreg $0xC0  }
0xab: {  	_ =	task [dreg:s6], $0x5FFFF  }
0xac: {  	[dreg:$0x1] =	wrdreg $0xFFFFFFFF  }
0xad: {  	[dreg:$0x0] =	wrdreg $0x60  }
0xae: {  	[dreg:$0x2] =	wrdreg s24  }
0xaf: {  	[dreg:$0x3] =	wrdreg $0x40800  }
0xb0: {  	[dreg:$0x4] =	wrdreg $0x9  }
0xb1: {  	_ =	task.clear_ibuf [dreg:s6], $0x5FFFF;
	_ =	strace $0x90000049  }
0xb2: {  	s29 =	simm.s32 $0x9;
	_ =	strace $0x8000004B  }
0xb3: {  	_ =	swait.ge [sflag:s29], $0x1  }
0xb4: {  	[sflag:s29] =	ssyncadd.s32 $0xFFFFFFFF  }
0xb5: {  	_ =	strace $0x9000004B  }
0xb6: {  	_ =	sfence  }
0xb7: {  	s30 =	sld [smem:$0x0];
	_ =	sdelay $0x2  }
0xb8: {  	s31 =	sshll.u32 s1, $0xD;
	s1 =	sshrl.u32 s1, $0x2  }
0xb9: {  	s3 =	sand.u32 $0x4000, s31;
	s1 =	sadd.s32 s1, s30  }
0xba: {  	s0 =	sor.u32 s3, s0;
	s1 =	sshll.u32 s1, $0x11  }
0xbb: {  	s0 =	sor.u32 s1, s0  }
0xbc: {  	s0 =	sadd.s32 $0x8F2B, s0  }
0xbd: {  	[sflag:s0] =	ssyncadd.remote.s32 $0x1  }
0xbe: {  	_ =	sfence.sel $0xFFFF  }
0xbf: {  	[dreg:$0x0] =	wrdreg $0xFFFFFFFF;
	(pc) =	sbr.abs _section_cstart, $3  }
0xc0: {  	[dreg:$0x1] =	wrdreg $0xFFFFFFFF  }
0xc1: {  	_ =	task.clear_ibuf [dreg:s6], $0x2FFFF;
	_ =	strace $0x9FFFFFFF  }
0xc2: {  	(tm) =	ssettm $0x7FFFFFFF  }
0xc3: {  	_ =	shalt  }
tec
execute0_lowered:
.L_overlay_start_1:
0x0: {  	(tag) =	ssettag $0x1  }
0x1: {  	s1 =	stileid.u32  }
0x2: {  	s8 =	smul.u32 $0x140000, s1  }
0x3: {  	s0 =	srdreg.scid;
	s9 =	smul.u32 $0x2800, s1  }
0x4: {  	s4 =	rddreg [dreg:$0x0];
	s24 =	smul.u32 $0x14000, s1  }
0x5: {  	s2 =	rddreg [dreg:$0x1];
	s3 =	simm.s32 $0x0;
	s25 =	smul.u32 $0x500, s1  }
0x6: {  	s5 =	sand.u32 $0x1, s0;
	s0 =	rddreg [dreg:$0x2];
	s26 =	smul.u32 $0x50000, s1  }
0x7: {  	s13 =	simm.s32 $0x0;
	[smem:$0x7FF] =	sst s3;
	s6 =	smul.u32 $0x28000, s5  }
0x8: {  	s31 =	sshll.u32 s1, $0x6;
	s7 =	smul.u32 $0x1400000, s5;
	_ =	strace $0x8000004A  }
0x9: {  	s23 =	smul.u32 $0x140000, s5;
	s5 =	ssub.s32 $0x2, s5;
	s11 =	sadd.s32 s25, s4  }
0xa: {  	s29 =	sshrl.u32 s5, $0x1;
	s30 =	sshrl.u32 s26, $0x2;
	s7 =	sadd.s32 s8, s7  }
0xb: {  	s6 =	sadd.s32 s9, s6;
	s8 =	sadd.s32 s24, s23;
	s12 =	sadd.s32 s30, s2  }
0xc: {  	s9 =	sadd.s32 $0x2E00, s11;
	s11 =	simm.s32 $0x1;
	s7 =	sshrl.u32 s7, $0x3  }
0xd: {  	s6 =	sadd.s32 s6, s4;
	s28 =	sshrl.u32 s8, $0x3;
	s8 =	ssub.s32 s5, s29  }
0xe: {  	s5 =	sor.u32 $0x1C01, s31;
	s10 =	sadd.s32 s7, s4;
	s7 =	sadd.s32 s28, s4  }
0xf: {  	s4 =	sadd.s32 $0x58600, s6;
	s6 =	sadd.s32 $0x5A8600, s7;
	s7 =	smax.u32 s8, $0x1  }
0x10: {  	s8 =	sadd.s32 $0xA8600, s10;
	s10 =	sshrl.u32 s12, $0x3;
	s12 =	simm.s32 $0x80  }
.LBB2_1:
0x11: {  	[spmem:s10], [sflag:s5] =	dma.local [hbm:s4], $0x2800  }
0x12: {  	_ =	swait.ge [sflag:s11], $0x2800  }
0x13: {  	[sflag:s11] =	ssyncset.done $0x0  }
0x14: {  	[sflag:s11] =	ssyncadd.s32 $0xFFFFD800  }
0x15: {  	s14 =	sadd.s32 $0x0, s9;
	[bflag:$0x0] =	sbarrier.arrive $0xFFFF  }
0x16: {  	[tilespmem:s3], [sflag:$0x1] =	stream.linear.gather [hbm4b:s14+s3], $0x80, $0x38;
	[tilespmem:$0x18080] =	vst v63  }
0x17: {  	_ =	swait.ge [sflag:s11], $0x80  }
0x18: {  	[sflag:s11] =	ssyncset.done $0x0  }
0x19: {  	[sflag:s11] =	ssyncadd.s32 $0xFFFFFF80  }
0x1a: {  	[tilespmem:s12], [sflag:$0x1] =	stream.linear.gather [hbm4b:s8+s3], $0x4000, $0x38;
	[tilespmem:$0x18080] =	vst v63  }
0x1b: {  	_ =	swait.ge [sflag:s11], $0x4000  }
0x1c: {  	[sflag:s11] =	ssyncset.done $0x0  }
0x1d: {  	[sflag:s11] =	ssyncadd.s32 $0xFFFFC000  }
0x1e: {  	[spmem:s2] =	stream.indirect.scatter.add.f32 [tilespmem:s12], [sflag:$0x1], $0x80, s3, s12, $0xb8;
	[tilespmem:$0x18080] =	vst v63  }
0x1f: {  	s15 =	simm.s32 $0x10;
	_ =	swait.ge [sflag:s11], $0x4000  }
0x20: {  	s16 =	simm.s32 $0x20;
	s14 =	sadd.s32 $0x800, s8;
	[sflag:s11] =	ssyncset.done $0x0  }
.LBB2_2:
0x21: {  	s17 =	sadd.s32 s15, s9  }
0x22: {  	[sflag:s11] =	ssyncadd.s32 $0xFFFFC000;
	s15 =	smov.u32 s16;
	s18 =	sadd.s32 $0x10, s16  }
0x23: {  	[tilespmem:s3], [sflag:$0x1] =	stream.linear.gather [hbm4b:s17+s3], $0x80, $0x38;
	[tilespmem:$0x18080] =	vst v63  }
0x24: {  	p0 =	sne.s32 s16, $0x4F0;
	_ =	swait.ge [sflag:s11], $0x80  }
0x25: {  	[sflag:s11] =	ssyncset.done $0x0  }
0x26: {  	[sflag:s11] =	ssyncadd.s32 $0xFFFFFF80  }
0x27: {  	[tilespmem:s12], [sflag:$0x1] =	stream.linear.gather [hbm4b:s14+s3], $0x4000, $0x38;
	[tilespmem:$0x18080] =	vst v63  }
0x28: {  	_ =	swait.ge [sflag:s11], $0x4000  }
.Ltmp0:
0x29: {  	[sflag:s11] =	ssyncset.done $0x0;
	(pc) =	sbr.rel @p0 .LBB2_2-.Ltmp0, $4  }
0x2a: {  	[sflag:s11] =	ssyncadd.s32 $0xFFFFC000  }
0x2b: {  	[spmem:s2] =	stream.indirect.scatter.add.f32 [tilespmem:s12], [sflag:$0x1], $0x80, s3, s12, $0xb8;
	[tilespmem:$0x18080] =	vst v63  }
0x2c: {  	_ =	swait.ge [sflag:s11], $0x4000  }
0x2d: {  	s16 =	smov.u32 s18;
	s14 =	sadd.s32 $0x800, s14;
	[sflag:s11] =	ssyncset.done $0x0  }
0x2e: {  	s15 =	sadd.s32 s15, s9;
	[sflag:s11] =	ssyncadd.s32 $0xFFFFC000  }
0x2f: {  	[tilespmem:s3], [sflag:$0x1] =	stream.linear.gather [hbm4b:s15+s3], $0x80, $0x38;
	[tilespmem:$0x18080] =	vst v63  }
0x30: {  	_ =	swait.ge [sflag:s11], $0x80  }
0x31: {  	[sflag:s11] =	ssyncset.done $0x0  }
0x32: {  	[sflag:s11] =	ssyncadd.s32 $0xFFFFFF80  }
0x33: {  	[tilespmem:s12], [sflag:$0x1] =	stream.linear.gather [hbm4b:s14+s3], $0x4000, $0x38;
	[tilespmem:$0x18080] =	vst v63  }
0x34: {  	_ =	swait.ge [sflag:s11], $0x4000  }
0x35: {  	[sflag:s11] =	ssyncset.done $0x0  }
0x36: {  	[sflag:s11] =	ssyncadd.s32 $0xFFFFC000  }
0x37: {  	[spmem:s2] =	stream.indirect.scatter.add.f32 [tilespmem:s12], [sflag:$0x1], $0x80, s3, s12, $0xb8;
	[tilespmem:$0x18080] =	vst v63  }
0x38: {  	_ =	swait.ge [sflag:s11], $0x4000  }
0x39: {  	s13 =	sadd.s32 $0x1, s13;
	[sflag:s11] =	ssyncset.done $0x0  }
0x3a: {  	p0 =	sne.s32 s13, s7;
	[sflag:s11] =	ssyncadd.s32 $0xFFFFC000  }
.Ltmp1:
0x3b: {  	[bflag:$0x0] =	sbarrier.arrive $0xFFFF;
	(pc) =	sbr.rel @p0 .LBB2_1-.Ltmp1, $4  }
0x3c: {  	[hbm:s6], [sflag:s5] =	dma.local [spmem:s10], $0x2800  }
0x3d: {  	_ =	swait.ge [sflag:s11], $0x2800  }
0x3e: {  	[sflag:s11] =	ssyncset.done $0x0  }
0x3f: {  	[sflag:s11] =	ssyncadd.s32 $0xFFFFD800  }
0x40: {  	_ =	sfence.sel $0x180000  }
0x41: {  	[bflag:$0x0] =	sbarrier.arrive $0xFFFF  }
0x42: {  	p0 =	sne.s32 s1, $0x0;
	_ =	strace $0x9000004A  }
0x43: {  	s0 =	sadd.s32 @!p0 $0x100000, s0;
	[bflag:$0x2] =	sbarrier.arrive $0xFFFF  }
0x44: {  	[sflag:s0] =	ssyncadd.tile.s32 @!p0 $0x1;
	_ =	shalt  }
.Lfunc_end2:
_tile_overlayer_lowered:
.L_overlay_start_2:
0x45: {  	(tag) =	ssettag $0x2  }
0x46: {  	s0 =	rddreg [dreg:$0x0];
	s2 =	stileid.u32  }
0x47: {  	s1 =	rddreg [dreg:$0x1];
	p0 =	sne.s32 s2, $0x0  }
0x48: {  	s3 =	rddreg [dreg:$0x2];
	[bflag:$0x3] =	sbarrier.arrive $0xFFFF;
	s2 =	simm.s32 @!p0 $0x1C01  }
0x49: {  	[timem:s3], [sflag:s2] =	dma.local @!p0 [hbm:s0], s1  }
0x4a: {  	s0 =	simm.s32 @!p0 $0x1  }
0x4b: {  	_ =	swait.ge @!p0 [sflag:s0], s1  }
0x4c: {  	s1 =	ssub.s32 @!p0 $0x0, s1;
	[sflag:s0] =	ssyncset.done @!p0 $0x0  }
0x4d: {  	[sflag:s0] =	ssyncadd.s32 @!p0 s1  }
0x4e: {  	[bflag:$0x3] =	sbarrier.arrive $0xFFFF  }
0x4f: {  	_ =	shalt  }

// kernel: kernel.14.cloned.1.call-start
scs
__scs_entry_jumppad:
0x0: {  	(pc) =	sbr.rel $0x88, $3  }
0x1: {  	(tag) =	ssettag $0x0;
	lr =	simm.s32 $0x1  }
0x2: {  	[smem:$0x3F97] =	sst lr;
	_ =	strace $0xD0000000  }
0x3: {  	_ = 	snop  }
0x4: {  	_ = 	snop  }
0x5: {  	_ = 	snop  }
0x6: {  	_ = 	snop  }
0x7: {  	_ = 	snop  }
__scs_overlays_trampoline_lowered:
0x8: {  	[smem:$0x3FA6] =	sst s0  }
0x9: {  	[smem:$0x3FA7] =	sst s1  }
0xa: {  	[smem:$0x3FA8] =	sst s2  }
0xb: {  	[smem:$0x3FA9] =	sst s3  }
0xc: {  	[smem:$0x3FAA] =	sst s4  }
0xd: {  	[smem:$0x3FAB] =	sst s5  }
0xe: {  	[smem:$0x3FAC] =	sst s6  }
0xf: {  	[smem:$0x3FAD] =	sst s7  }
0x10: {  	[smem:$0x3FAE] =	sst s8  }
0x11: {  	[smem:$0x3FAF] =	sst s9;
	s0 =	simm.s32 @!p0 $0x0  }
0x12: {  	s1 =	sld [smem:$0x3F95];
	s0 =	simm.s32 @p0 $0x1  }
0x13: {  	[smem:$0x3FB0] =	sst s0;
	s0 =	simm.s32 @!p1 $0x0  }
0x14: {  	s2 =	sld [smem:$0x3F94];
	s0 =	simm.s32 @p1 $0x1  }
0x15: {  	[smem:$0x3FB1] =	sst s0;
	s0 =	simm.s32 @!p2 $0x0  }
0x16: {  	s3 =	sld [smem:$0x3FDB];
	s0 =	simm.s32 @p2 $0x1  }
0x17: {  	s4 =	simm.s32 $0x1BF5;
	[smem:$0x3FB3] =	sst s0  }
0x18: {  	s0 =	sld [smem:$0x3F96];
	_ =	swait.ge [sflag:s4], $0x0  }
0x19: {  	s7 =	sld [smem:$0x3F97]  }
0x1a: {  	s8 =	sadd.s32 $0xFFFFE003, lr  }
0x1b: {  	s9 =	sadd.s32 $0xFFFFFEF7, lr;
	s5 =	simm.s32 $0xFFFFFFFF;
	p2 =	slt.u32 s8, $0xFFFFF086  }
0x1c: {  	p1 =	slt.u32 s9, $0xF7A;
	s5 =	simm.s32 @!p2 $0x0  }
0x1d: {  	s5 =	simm.s32 @p1 $0x1;
	p0 =	seq.s32 s7, s2  }
0x1e: {  	s7 =	smul.u32 @!p0 $0xF7A, s2;
	p2 =	seq.s32 @!p0 s5, $0x0  }
0x1f: {  	s9 =	smul.u32 $0xF7A, s1;
	s8 =	simm.s32 @!p0 $0x1BF5;
	p2 =	por !p2, p0  }
0x20: {  	[sflag:s8] =	ssyncset.s32 @!p0 $0xFFFFF086;
	s6 =	sadd.s32 @!p0 s3, s7;
	s7 =	simm.s32 @!p0 $0x108  }
0x21: {  	s3 =	sadd.s32 s3, s9;
	s6 =	sadd.s32 @!p0 $0x88, s6;
	s7 =	simm.s32 @p2 $0x1082  }
0x22: {  	[simem:s7], [sflag:s8] =	dma.local @!p0 [hbm:s6], $0xF7A  }
0x23: {  	s9 =	sor.u32 $0xD0000000, s2;
	s6 =	simm.s32 $0x108;
	_ =	swait.ge @!p0 [sflag:s8], $0x0  }
0x24: {  	s3 =	sadd.s32 $0x88, s3;
	s6 =	simm.s32 @!p1 $0x1082;
	[sflag:s4] =	ssyncset.s32 $0xFFFFF086  }
0x25: {  	[simem:s6], [sflag:s4] =	dma.local [hbm:s3], $0xF7A  }
0x26: {  	[smem:$0x3F97] =	sst s1;
	(tag) =	ssettag s2;
	_ =	strace s9  }
0x27: {  	s1 =	sld [smem:$0x3FA7]  }
0x28: {  	s2 =	sld [smem:$0x3FA8]  }
0x29: {  	s4 =	sld [smem:$0x3FAA]  }
0x2a: {  	p0 =	seq.s32 s5, $0x0;
	s5 =	sld [smem:$0x3FAB]  }
0x2b: {  	s6 =	sld [smem:$0x3FAC]  }
0x2c: {  	s7 =	sld [smem:$0x3FAD]  }
0x2d: {  	s3 =	simm.s32 $0x108;
	s8 =	sld [smem:$0x3FAE]  }
0x2e: {  	s3 =	simm.s32 @!p0 $0x1082;
	s9 =	sld [smem:$0x3FAF]  }
0x2f: {  	lr =	sadd.s32 s0, s3;
	s0 =	sld [smem:$0x3FA6]  }
0x30: {  	s3 =	sld [smem:$0x3FA9]  }
0x31: {  	[smem:$0x3FB2] =	sst s10  }
0x32: {  	s10 =	sld [smem:$0x3FB0];
	_ =	sdelay $0x3  }
0x33: {  	p0 =	seq.s32 s10, $0x1;
	s10 =	sld [smem:$0x3FB2];
	_ =	sdelay $0x3  }
0x34: {  	[smem:$0x3FB2] =	sst s10  }
0x35: {  	s10 =	sld [smem:$0x3FB1];
	_ =	sdelay $0x3  }
0x36: {  	p1 =	seq.s32 s10, $0x1;
	s10 =	sld [smem:$0x3FB2];
	_ =	sdelay $0x3  }
0x37: {  	[smem:$0x3FB2] =	sst s10  }
0x38: {  	s10 =	sld [smem:$0x3FB3]  }
0x39: {  	_ = 	snop;
	(pc) =	sbr.ind lr, $3  }
0x3a: {  	_ = 	snop  }
0x3b: {  	_ = 	snop  }
0x3c: {  	p2 =	seq.s32 s10, $0x1;
	s10 =	sld [smem:$0x3FB2]  }
0x3d: {  	_ =	shalt  }
0x3e: {  	_ =	shalt  }
0x3f: {  	_ =	shalt  }
0x40: {  	_ =	shalt  }
0x41: {  	_ =	shalt  }
0x42: {  	_ =	shalt  }
0x43: {  	_ =	shalt  }
0x44: {  	_ =	shalt  }
0x45: {  	_ =	shalt  }
0x46: {  	_ =	shalt  }
0x47: {  	_ =	shalt  }
0x48: {  	_ =	shalt  }
0x49: {  	_ =	shalt  }
0x4a: {  	_ =	shalt  }
0x4b: {  	_ =	shalt  }
0x4c: {  	_ =	shalt  }
0x4d: {  	_ =	shalt  }
0x4e: {  	_ =	shalt  }
0x4f: {  	_ =	shalt  }
0x50: {  	_ =	shalt  }
0x51: {  	_ =	shalt  }
0x52: {  	_ =	shalt  }
0x53: {  	_ =	shalt  }
0x54: {  	_ =	shalt  }
0x55: {  	_ =	shalt  }
0x56: {  	_ =	shalt  }
0x57: {  	_ =	shalt  }
0x58: {  	_ =	shalt  }
0x59: {  	_ =	shalt  }
0x5a: {  	_ =	shalt  }
0x5b: {  	_ =	shalt  }
0x5c: {  	_ =	shalt  }
0x5d: {  	_ =	shalt  }
0x5e: {  	_ =	shalt  }
0x5f: {  	_ =	shalt  }
0x60: {  	_ =	shalt  }
0x61: {  	_ =	shalt  }
0x62: {  	_ =	shalt  }
0x63: {  	_ =	shalt  }
0x64: {  	_ =	shalt  }
0x65: {  	_ =	shalt  }
0x66: {  	_ =	shalt  }
0x67: {  	_ =	shalt  }
0x68: {  	_ =	shalt  }
0x69: {  	_ =	shalt  }
0x6a: {  	_ =	shalt  }
0x6b: {  	_ =	shalt  }
0x6c: {  	_ =	shalt  }
0x6d: {  	_ =	shalt  }
0x6e: {  	_ =	shalt  }
0x6f: {  	_ =	shalt  }
0x70: {  	_ =	shalt  }
0x71: {  	_ =	shalt  }
0x72: {  	_ =	shalt  }
0x73: {  	_ =	shalt  }
0x74: {  	_ =	shalt  }
0x75: {  	_ =	shalt  }
0x76: {  	_ =	shalt  }
0x77: {  	_ =	shalt  }
0x78: {  	_ =	shalt  }
0x79: {  	_ =	shalt  }
0x7a: {  	_ =	shalt  }
0x7b: {  	_ =	shalt  }
0x7c: {  	_ =	shalt  }
0x7d: {  	_ =	shalt  }
0x7e: {  	_ =	shalt  }
0x7f: {  	_ =	shalt  }
0x80: {  	_ =	shalt  }
0x81: {  	_ =	shalt  }
0x82: {  	_ =	shalt  }
0x83: {  	_ =	shalt  }
0x84: {  	_ =	shalt  }
0x85: {  	_ =	shalt  }
0x86: {  	_ =	shalt  }
0x87: {  	_ =	shalt  }
.Lfunc_end0:
.L_simem_size_0:
called_computation.2_lowered:
.L_overlay_start_0:
0x88: {  	s2 =	sld [smem:$0x3FD9]  }
0x89: {  	s3 =	sld [smem:$0x3FFE];
	_ =	sdelay $0x1  }
0x8a: {  	s1 =	srdreg.scid  }
0x8b: {  	s0 =	sand.u32 $0x1, s1  }
0x8c: {  	s16 =	sshll.u32 s0, $0xA;
	s2 =	sadd.s32 s3, s2  }
0x8d: {  	s2 =	sadd.s32 s2, s16  }
0x8e: {  	[smem:$0x3FBE] =	sst s2  }
0x8f: {  	_ = 	snop  }
0x90: {  	(tm) =	ssettm $0x1  }
0x91: {  	s17 =	sld [smem:$0x3FFB];
	_ =	sdelay $0x3  }
0x92: {  	_ =	strace s17  }
0x93: {  	s2 =	sld [smem:$0x3FFC];
	_ =	sdelay $0x3  }
0x94: {  	_ =	strace s2  }
0x95: {  	s2 =	sld [smem:$0x3FFD];
	_ =	sdelay $0x3  }
0x96: {  	_ =	strace s2  }
0x97: {  	_ =	strace $0x8FFFFFFF  }
0x98: {  	s18 =	sld [smem:$0x3FDB];
	_ =	sdelay $0x1  }
0x99: {  	s19 =	simm.s32 $_scs_section_size  }
0x9a: {  	s4 =	simm.s32 $_size__tile_overlayer_lowered;
	s5 =	simm.s32 $_tile_overlayer_lowered  }
0x9b: {  	s22 =	simm.s32 $0x1BFF;
	s21 =	sshll.u32 s5, $0x1;
	s2 =	sadd.s32 s19, s18  }
0x9c: {  	s6 =	simm.s32 $0x0;
	s20 =	sshll.u32 s4, $0x1;
	s4 =	sadd.s32 s21, s2  }
0x9d: {  	[timem:s6], [sflag:s22] =	dma.local [hbm:s4], s20  }
0x9e: {  	_ =	swait.ge [sflag:s22], s20  }
0x9f: {  	s3 =	ssub.s32 $0x0, s20;
	[sflag:s22] =	ssyncset.done $0x0  }
0xa0: {  	[sflag:s22] =	ssyncadd.s32 s3;
	_ =	sdelay $0x1  }
0xa1: {  	s23 =	simm.s32 $0x1B8B  }
0xa2: {  	_ =	swait.ge [sflag:s23], $0x1  }
0xa3: {  	[sflag:s23] =	ssyncset.done $0x0  }
0xa4: {  	s25 =	simm.s32 $0x1B8E;
	s24 =	sld [smem:$0x3FFE];
	[sflag:s23] =	ssyncadd.s32 $0xFFFFFFFF  }
0xa5: {  	s26 =	simm.s32 $execute0_lowered;
	[smem:$0x3FD2] =	sst s25  }
0xa6: {  	s4 =	sshll.u32 s26, $0x1;
	_ =	strace $0x8000004C;
	[dreg:$0x1] =	wrdreg $0xFFFFFFFF  }
0xa7: {  	s28 =	simm.s32 $_size_execute0_lowered;
	s2 =	sadd.s32 s2, s4;
	[dreg:$0x0] =	wrdreg $0x0  }
0xa8: {  	s4 =	sshll.u32 s28, $0x1;
	[dreg:$0x2] =	wrdreg s2  }
0xa9: {  	[dreg:$0x3] =	wrdreg s4  }
0xaa: {  	[dreg:$0x4] =	wrdreg $0xC0  }
0xab: {  	_ =	task [dreg:s6], $0x5FFFF  }
0xac: {  	[dreg:$0x1] =	wrdreg $0xFFFFFFFF  }
0xad: {  	[dreg:$0x0] =	wrdreg $0x60  }
0xae: {  	[dreg:$0x2] =	wrdreg s24  }
0xaf: {  	[dreg:$0x3] =	wrdreg $0x40800  }
0xb0: {  	[dreg:$0x4] =	wrdreg $0x9  }
0xb1: {  	_ =	task.clear_ibuf [dreg:s6], $0x5FFFF;
	_ =	strace $0x9000004C  }
0xb2: {  	s29 =	simm.s32 $0x9;
	_ =	strace $0x8000004E  }
0xb3: {  	_ =	swait.ge [sflag:s29], $0x1  }
0xb4: {  	[sflag:s29] =	ssyncadd.s32 $0xFFFFFFFF  }
0xb5: {  	_ =	strace $0x9000004E  }
0xb6: {  	_ =	sfence  }
0xb7: {  	s30 =	sld [smem:$0x0];
	_ =	sdelay $0x2  }
0xb8: {  	s31 =	sshll.u32 s1, $0xD;
	s1 =	sshrl.u32 s1, $0x2  }
0xb9: {  	s3 =	sand.u32 $0x4000, s31;
	s1 =	sadd.s32 s1, s30  }
0xba: {  	s0 =	sor.u32 s3, s0;
	s1 =	sshll.u32 s1, $0x11  }
0xbb: {  	s0 =	sor.u32 s1, s0  }
0xbc: {  	s0 =	sadd.s32 $0x8F2B, s0  }
0xbd: {  	[sflag:s0] =	ssyncadd.remote.s32 $0x1  }
0xbe: {  	_ =	sfence.sel $0xFFFF  }
0xbf: {  	[dreg:$0x0] =	wrdreg $0xFFFFFFFF;
	(pc) =	sbr.abs _section_cstart, $3  }
0xc0: {  	[dreg:$0x1] =	wrdreg $0xFFFFFFFF  }
0xc1: {  	_ =	task.clear_ibuf [dreg:s6], $0x2FFFF;
	_ =	strace $0x9FFFFFFF  }
0xc2: {  	(tm) =	ssettm $0x7FFFFFFF  }
0xc3: {  	_ =	shalt  }
tec
execute0_lowered:
.L_overlay_start_1:
0x0: {  	(tag) =	ssettag $0x1  }
0x1: {  	s1 =	stileid.u32  }
0x2: {  	s8 =	smul.u32 $0x140000, s1  }
0x3: {  	s0 =	srdreg.scid;
	s9 =	smul.u32 $0x2800, s1  }
0x4: {  	s4 =	rddreg [dreg:$0x0];
	s24 =	smul.u32 $0x14000, s1  }
0x5: {  	s2 =	rddreg [dreg:$0x1];
	s3 =	simm.s32 $0x0;
	s25 =	smul.u32 $0x500, s1  }
0x6: {  	s5 =	sand.u32 $0x1, s0;
	s0 =	rddreg [dreg:$0x2];
	s26 =	smul.u32 $0x50000, s1  }
0x7: {  	s13 =	simm.s32 $0x0;
	[smem:$0x7FF] =	sst s3;
	s6 =	smul.u32 $0x28000, s5  }
0x8: {  	s31 =	sshll.u32 s1, $0x6;
	s7 =	smul.u32 $0x1400000, s5;
	_ =	strace $0x8000004D  }
0x9: {  	s23 =	smul.u32 $0x140000, s5;
	s5 =	ssub.s32 $0x2, s5;
	s11 =	sadd.s32 s25, s4  }
0xa: {  	s29 =	sshrl.u32 s5, $0x1;
	s30 =	sshrl.u32 s26, $0x2;
	s7 =	sadd.s32 s8, s7  }
0xb: {  	s6 =	sadd.s32 s9, s6;
	s8 =	sadd.s32 s24, s23;
	s12 =	sadd.s32 s30, s2  }
0xc: {  	s9 =	sadd.s32 $0x2E00, s11;
	s11 =	simm.s32 $0x1;
	s7 =	sshrl.u32 s7, $0x3  }
0xd: {  	s6 =	sadd.s32 s6, s4;
	s28 =	sshrl.u32 s8, $0x3;
	s8 =	ssub.s32 s5, s29  }
0xe: {  	s5 =	sor.u32 $0x1C01, s31;
	s10 =	sadd.s32 s7, s4;
	s7 =	sadd.s32 s28, s4  }
0xf: {  	s4 =	sadd.s32 $0x58600, s6;
	s6 =	sadd.s32 $0x5A8600, s7;
	s7 =	smax.u32 s8, $0x1  }
0x10: {  	s8 =	sadd.s32 $0xA8600, s10;
	s10 =	sshrl.u32 s12, $0x3;
	s12 =	simm.s32 $0x80  }
.LBB2_1:
0x11: {  	[spmem:s10], [sflag:s5] =	dma.local [hbm:s4], $0x2800  }
0x12: {  	_ =	swait.ge [sflag:s11], $0x2800  }
0x13: {  	[sflag:s11] =	ssyncset.done $0x0  }
0x14: {  	[sflag:s11] =	ssyncadd.s32 $0xFFFFD800  }
0x15: {  	s14 =	sadd.s32 $0x0, s9;
	[bflag:$0x0] =	sbarrier.arrive $0xFFFF  }
0x16: {  	[tilespmem:s3], [sflag:$0x1] =	stream.linear.gather [hbm4b:s14+s3], $0x80, $0x38;
	[tilespmem:$0x18080] =	vst v63  }
0x17: {  	_ =	swait.ge [sflag:s11], $0x80  }
0x18: {  	[sflag:s11] =	ssyncset.done $0x0  }
0x19: {  	[sflag:s11] =	ssyncadd.s32 $0xFFFFFF80  }
0x1a: {  	[tilespmem:s12], [sflag:$0x1] =	stream.linear.gather [hbm4b:s8+s3], $0x4000, $0x38;
	[tilespmem:$0x18080] =	vst v63  }
0x1b: {  	_ =	swait.ge [sflag:s11], $0x4000  }
0x1c: {  	[sflag:s11] =	ssyncset.done $0x0  }
0x1d: {  	[sflag:s11] =	ssyncadd.s32 $0xFFFFC000  }
0x1e: {  	[spmem:s2] =	stream.indirect.scatter.add.f32 [tilespmem:s12], [sflag:$0x1], $0x80, s3, s12, $0xb8;
	[tilespmem:$0x18080] =	vst v63  }
0x1f: {  	s15 =	simm.s32 $0x10;
	_ =	swait.ge [sflag:s11], $0x4000  }
0x20: {  	s16 =	simm.s32 $0x20;
	s14 =	sadd.s32 $0x800, s8;
	[sflag:s11] =	ssyncset.done $0x0  }
.LBB2_2:
0x21: {  	s17 =	sadd.s32 s15, s9  }
0x22: {  	[sflag:s11] =	ssyncadd.s32 $0xFFFFC000;
	s15 =	smov.u32 s16;
	s18 =	sadd.s32 $0x10, s16  }
0x23: {  	[tilespmem:s3], [sflag:$0x1] =	stream.linear.gather [hbm4b:s17+s3], $0x80, $0x38;
	[tilespmem:$0x18080] =	vst v63  }
0x24: {  	p0 =	sne.s32 s16, $0x4F0;
	_ =	swait.ge [sflag:s11], $0x80  }
0x25: {  	[sflag:s11] =	ssyncset.done $0x0  }
0x26: {  	[sflag:s11] =	ssyncadd.s32 $0xFFFFFF80  }
0x27: {  	[tilespmem:s12], [sflag:$0x1] =	stream.linear.gather [hbm4b:s14+s3], $0x4000, $0x38;
	[tilespmem:$0x18080] =	vst v63  }
0x28: {  	_ =	swait.ge [sflag:s11], $0x4000  }
.Ltmp0:
0x29: {  	[sflag:s11] =	ssyncset.done $0x0;
	(pc) =	sbr.rel @p0 .LBB2_2-.Ltmp0, $4  }
0x2a: {  	[sflag:s11] =	ssyncadd.s32 $0xFFFFC000  }
0x2b: {  	[spmem:s2] =	stream.indirect.scatter.add.f32 [tilespmem:s12], [sflag:$0x1], $0x80, s3, s12, $0xb8;
	[tilespmem:$0x18080] =	vst v63  }
0x2c: {  	_ =	swait.ge [sflag:s11], $0x4000  }
0x2d: {  	s16 =	smov.u32 s18;
	s14 =	sadd.s32 $0x800, s14;
	[sflag:s11] =	ssyncset.done $0x0  }
0x2e: {  	s15 =	sadd.s32 s15, s9;
	[sflag:s11] =	ssyncadd.s32 $0xFFFFC000  }
0x2f: {  	[tilespmem:s3], [sflag:$0x1] =	stream.linear.gather [hbm4b:s15+s3], $0x80, $0x38;
	[tilespmem:$0x18080] =	vst v63  }
0x30: {  	_ =	swait.ge [sflag:s11], $0x80  }
0x31: {  	[sflag:s11] =	ssyncset.done $0x0  }
0x32: {  	[sflag:s11] =	ssyncadd.s32 $0xFFFFFF80  }
0x33: {  	[tilespmem:s12], [sflag:$0x1] =	stream.linear.gather [hbm4b:s14+s3], $0x4000, $0x38;
	[tilespmem:$0x18080] =	vst v63  }
0x34: {  	_ =	swait.ge [sflag:s11], $0x4000  }
0x35: {  	[sflag:s11] =	ssyncset.done $0x0  }
0x36: {  	[sflag:s11] =	ssyncadd.s32 $0xFFFFC000  }
0x37: {  	[spmem:s2] =	stream.indirect.scatter.add.f32 [tilespmem:s12], [sflag:$0x1], $0x80, s3, s12, $0xb8;
	[tilespmem:$0x18080] =	vst v63  }
0x38: {  	_ =	swait.ge [sflag:s11], $0x4000  }
0x39: {  	s13 =	sadd.s32 $0x1, s13;
	[sflag:s11] =	ssyncset.done $0x0  }
0x3a: {  	p0 =	sne.s32 s13, s7;
	[sflag:s11] =	ssyncadd.s32 $0xFFFFC000  }
.Ltmp1:
0x3b: {  	[bflag:$0x0] =	sbarrier.arrive $0xFFFF;
	(pc) =	sbr.rel @p0 .LBB2_1-.Ltmp1, $4  }
0x3c: {  	[hbm:s6], [sflag:s5] =	dma.local [spmem:s10], $0x2800  }
0x3d: {  	_ =	swait.ge [sflag:s11], $0x2800  }
0x3e: {  	[sflag:s11] =	ssyncset.done $0x0  }
0x3f: {  	[sflag:s11] =	ssyncadd.s32 $0xFFFFD800  }
0x40: {  	_ =	sfence.sel $0x180000  }
0x41: {  	[bflag:$0x0] =	sbarrier.arrive $0xFFFF  }
0x42: {  	p0 =	sne.s32 s1, $0x0;
	_ =	strace $0x9000004D  }
0x43: {  	s0 =	sadd.s32 @!p0 $0x100000, s0;
	[bflag:$0x2] =	sbarrier.arrive $0xFFFF  }
0x44: {  	[sflag:s0] =	ssyncadd.tile.s32 @!p0 $0x1;
	_ =	shalt  }
.Lfunc_end2:
_tile_overlayer_lowered:
.L_overlay_start_2:
0x45: {  	(tag) =	ssettag $0x2  }
0x46: {  	s0 =	rddreg [dreg:$0x0];
	s2 =	stileid.u32  }
0x47: {  	s1 =	rddreg [dreg:$0x1];
	p0 =	sne.s32 s2, $0x0  }
0x48: {  	s3 =	rddreg [dreg:$0x2];
	[bflag:$0x3] =	sbarrier.arrive $0xFFFF;
	s2 =	simm.s32 @!p0 $0x1C01  }
0x49: {  	[timem:s3], [sflag:s2] =	dma.local @!p0 [hbm:s0], s1  }
0x4a: {  	s0 =	simm.s32 @!p0 $0x1  }
0x4b: {  	_ =	swait.ge @!p0 [sflag:s0], s1  }
0x4c: {  	s1 =	ssub.s32 @!p0 $0x0, s1;
	[sflag:s0] =	ssyncset.done @!p0 $0x0  }
0x4d: {  	[sflag:s0] =	ssyncadd.s32 @!p0 s1  }
0x4e: {  	[bflag:$0x3] =	sbarrier.arrive $0xFFFF  }
0x4f: {  	_ =	shalt  }

// kernel: kernel.8.cloned.1.call-start
scs
__scs_entry_jumppad:
0x0: {  	(pc) =	sbr.rel $0x88, $3  }
0x1: {  	(tag) =	ssettag $0x0;
	lr =	simm.s32 $0x1  }
0x2: {  	[smem:$0x3F97] =	sst lr;
	_ =	strace $0xD0000000  }
0x3: {  	_ = 	snop  }
0x4: {  	_ = 	snop  }
0x5: {  	_ = 	snop  }
0x6: {  	_ = 	snop  }
0x7: {  	_ = 	snop  }
__scs_overlays_trampoline_lowered:
0x8: {  	[smem:$0x3FA6] =	sst s0  }
0x9: {  	[smem:$0x3FA7] =	sst s1  }
0xa: {  	[smem:$0x3FA8] =	sst s2  }
0xb: {  	[smem:$0x3FA9] =	sst s3  }
0xc: {  	[smem:$0x3FAA] =	sst s4  }
0xd: {  	[smem:$0x3FAB] =	sst s5  }
0xe: {  	[smem:$0x3FAC] =	sst s6  }
0xf: {  	[smem:$0x3FAD] =	sst s7  }
0x10: {  	[smem:$0x3FAE] =	sst s8  }
0x11: {  	[smem:$0x3FAF] =	sst s9;
	s0 =	simm.s32 @!p0 $0x0  }
0x12: {  	s1 =	sld [smem:$0x3F95];
	s0 =	simm.s32 @p0 $0x1  }
0x13: {  	[smem:$0x3FB0] =	sst s0;
	s0 =	simm.s32 @!p1 $0x0  }
0x14: {  	s2 =	sld [smem:$0x3F94];
	s0 =	simm.s32 @p1 $0x1  }
0x15: {  	[smem:$0x3FB1] =	sst s0;
	s0 =	simm.s32 @!p2 $0x0  }
0x16: {  	s3 =	sld [smem:$0x3FDB];
	s0 =	simm.s32 @p2 $0x1  }
0x17: {  	s4 =	simm.s32 $0x1BF5;
	[smem:$0x3FB3] =	sst s0  }
0x18: {  	s0 =	sld [smem:$0x3F96];
	_ =	swait.ge [sflag:s4], $0x0  }
0x19: {  	s7 =	sld [smem:$0x3F97]  }
0x1a: {  	s8 =	sadd.s32 $0xFFFFE003, lr  }
0x1b: {  	s9 =	sadd.s32 $0xFFFFFEF7, lr;
	s5 =	simm.s32 $0xFFFFFFFF;
	p2 =	slt.u32 s8, $0xFFFFF086  }
0x1c: {  	p1 =	slt.u32 s9, $0xF7A;
	s5 =	simm.s32 @!p2 $0x0  }
0x1d: {  	s5 =	simm.s32 @p1 $0x1;
	p0 =	seq.s32 s7, s2  }
0x1e: {  	s7 =	smul.u32 @!p0 $0xF7A, s2;
	p2 =	seq.s32 @!p0 s5, $0x0  }
0x1f: {  	s9 =	smul.u32 $0xF7A, s1;
	s8 =	simm.s32 @!p0 $0x1BF5;
	p2 =	por !p2, p0  }
0x20: {  	[sflag:s8] =	ssyncset.s32 @!p0 $0xFFFFF086;
	s6 =	sadd.s32 @!p0 s3, s7;
	s7 =	simm.s32 @!p0 $0x108  }
0x21: {  	s3 =	sadd.s32 s3, s9;
	s6 =	sadd.s32 @!p0 $0x88, s6;
	s7 =	simm.s32 @p2 $0x1082  }
0x22: {  	[simem:s7], [sflag:s8] =	dma.local @!p0 [hbm:s6], $0xF7A  }
0x23: {  	s9 =	sor.u32 $0xD0000000, s2;
	s6 =	simm.s32 $0x108;
	_ =	swait.ge @!p0 [sflag:s8], $0x0  }
0x24: {  	s3 =	sadd.s32 $0x88, s3;
	s6 =	simm.s32 @!p1 $0x1082;
	[sflag:s4] =	ssyncset.s32 $0xFFFFF086  }
0x25: {  	[simem:s6], [sflag:s4] =	dma.local [hbm:s3], $0xF7A  }
0x26: {  	[smem:$0x3F97] =	sst s1;
	(tag) =	ssettag s2;
	_ =	strace s9  }
0x27: {  	s1 =	sld [smem:$0x3FA7]  }
0x28: {  	s2 =	sld [smem:$0x3FA8]  }
0x29: {  	s4 =	sld [smem:$0x3FAA]  }
0x2a: {  	p0 =	seq.s32 s5, $0x0;
	s5 =	sld [smem:$0x3FAB]  }
0x2b: {  	s6 =	sld [smem:$0x3FAC]  }
0x2c: {  	s7 =	sld [smem:$0x3FAD]  }
0x2d: {  	s3 =	simm.s32 $0x108;
	s8 =	sld [smem:$0x3FAE]  }
0x2e: {  	s3 =	simm.s32 @!p0 $0x1082;
	s9 =	sld [smem:$0x3FAF]  }
0x2f: {  	lr =	sadd.s32 s0, s3;
	s0 =	sld [smem:$0x3FA6]  }
0x30: {  	s3 =	sld [smem:$0x3FA9]  }
0x31: {  	[smem:$0x3FB2] =	sst s10  }
0x32: {  	s10 =	sld [smem:$0x3FB0];
	_ =	sdelay $0x3  }
0x33: {  	p0 =	seq.s32 s10, $0x1;
	s10 =	sld [smem:$0x3FB2];
	_ =	sdelay $0x3  }
0x34: {  	[smem:$0x3FB2] =	sst s10  }
0x35: {  	s10 =	sld [smem:$0x3FB1];
	_ =	sdelay $0x3  }
0x36: {  	p1 =	seq.s32 s10, $0x1;
	s10 =	sld [smem:$0x3FB2];
	_ =	sdelay $0x3  }
0x37: {  	[smem:$0x3FB2] =	sst s10  }
0x38: {  	s10 =	sld [smem:$0x3FB3]  }
0x39: {  	_ = 	snop;
	(pc) =	sbr.ind lr, $3  }
0x3a: {  	_ = 	snop  }
0x3b: {  	_ = 	snop  }
0x3c: {  	p2 =	seq.s32 s10, $0x1;
	s10 =	sld [smem:$0x3FB2]  }
0x3d: {  	_ =	shalt  }
0x3e: {  	_ =	shalt  }
0x3f: {  	_ =	shalt  }
0x40: {  	_ =	shalt  }
0x41: {  	_ =	shalt  }
0x42: {  	_ =	shalt  }
0x43: {  	_ =	shalt  }
0x44: {  	_ =	shalt  }
0x45: {  	_ =	shalt  }
0x46: {  	_ =	shalt  }
0x47: {  	_ =	shalt  }
0x48: {  	_ =	shalt  }
0x49: {  	_ =	shalt  }
0x4a: {  	_ =	shalt  }
0x4b: {  	_ =	shalt  }
0x4c: {  	_ =	shalt  }
0x4d: {  	_ =	shalt  }
0x4e: {  	_ =	shalt  }
0x4f: {  	_ =	shalt  }
0x50: {  	_ =	shalt  }
0x51: {  	_ =	shalt  }
0x52: {  	_ =	shalt  }
0x53: {  	_ =	shalt  }
0x54: {  	_ =	shalt  }
0x55: {  	_ =	shalt  }
0x56: {  	_ =	shalt  }
0x57: {  	_ =	shalt  }
0x58: {  	_ =	shalt  }
0x59: {  	_ =	shalt  }
0x5a: {  	_ =	shalt  }
0x5b: {  	_ =	shalt  }
0x5c: {  	_ =	shalt  }
0x5d: {  	_ =	shalt  }
0x5e: {  	_ =	shalt  }
0x5f: {  	_ =	shalt  }
0x60: {  	_ =	shalt  }
0x61: {  	_ =	shalt  }
0x62: {  	_ =	shalt  }
0x63: {  	_ =	shalt  }
0x64: {  	_ =	shalt  }
0x65: {  	_ =	shalt  }
0x66: {  	_ =	shalt  }
0x67: {  	_ =	shalt  }
0x68: {  	_ =	shalt  }
0x69: {  	_ =	shalt  }
0x6a: {  	_ =	shalt  }
0x6b: {  	_ =	shalt  }
0x6c: {  	_ =	shalt  }
0x6d: {  	_ =	shalt  }
0x6e: {  	_ =	shalt  }
0x6f: {  	_ =	shalt  }
0x70: {  	_ =	shalt  }
0x71: {  	_ =	shalt  }
0x72: {  	_ =	shalt  }
0x73: {  	_ =	shalt  }
0x74: {  	_ =	shalt  }
0x75: {  	_ =	shalt  }
0x76: {  	_ =	shalt  }
0x77: {  	_ =	shalt  }
0x78: {  	_ =	shalt  }
0x79: {  	_ =	shalt  }
0x7a: {  	_ =	shalt  }
0x7b: {  	_ =	shalt  }
0x7c: {  	_ =	shalt  }
0x7d: {  	_ =	shalt  }
0x7e: {  	_ =	shalt  }
0x7f: {  	_ =	shalt  }
0x80: {  	_ =	shalt  }
0x81: {  	_ =	shalt  }
0x82: {  	_ =	shalt  }
0x83: {  	_ =	shalt  }
0x84: {  	_ =	shalt  }
0x85: {  	_ =	shalt  }
0x86: {  	_ =	shalt  }
0x87: {  	_ =	shalt  }
.Lfunc_end0:
.L_simem_size_0:
called_computation_lowered:
.L_overlay_start_0:
0x88: {  	s2 =	sld [smem:$0x3FD9]  }
0x89: {  	s3 =	sld [smem:$0x3FFE];
	_ =	sdelay $0x1  }
0x8a: {  	s1 =	srdreg.scid  }
0x8b: {  	s0 =	sand.u32 $0x1, s1  }
0x8c: {  	s14 =	sshll.u32 s0, $0xA;
	s2 =	sadd.s32 s3, s2  }
0x8d: {  	s2 =	sadd.s32 s2, s14  }
0x8e: {  	[smem:$0x3FBE] =	sst s2  }
0x8f: {  	_ = 	snop  }
0x90: {  	s2 =	sld [smem:$0x3FD0];
	_ =	sdelay $0x2  }
0x91: {  	s15 =	simm.s32 $0xA;
	s4 =	simm.s32 $0x10  }
0x92: {  	[smem:s4], [sflag:s15] =	dma.local [hbm:s2], $0x1  }
0x93: {  	_ =	swait.eq [sflag:s15], $0x1  }
0x94: {  	[sflag:s15] =	ssyncset.done $0x0  }
0x95: {  	[sflag:s15] =	ssyncadd.s32 $0xFFFFFFFF  }
0x96: {  	s16 =	sld [smem:$0x11];
	(tm) =	ssettm $0x1  }
0x97: {  	s17 =	sld [smem:$0x3FFB];
	_ =	sdelay $0x3  }
0x98: {  	_ =	strace s17  }
0x99: {  	s3 =	sld [smem:$0x3FFC];
	_ =	sdelay $0x3  }
0x9a: {  	_ =	strace s3  }
0x9b: {  	s3 =	sld [smem:$0x3FFD];
	_ =	sdelay $0x3  }
0x9c: {  	_ =	strace s3  }
0x9d: {  	_ =	strace $0x8FFFFFFF  }
0x9e: {  	s18 =	sld [smem:$0x3FDB];
	_ =	sdelay $0x1  }
0x9f: {  	s19 =	simm.s32 $_scs_section_size  }
0xa0: {  	s5 =	simm.s32 $_size__tile_overlayer_lowered;
	s6 =	simm.s32 $_tile_overlayer_lowered  }
0xa1: {  	s22 =	simm.s32 $0x1BFF;
	s21 =	sshll.u32 s6, $0x1;
	s3 =	sadd.s32 s19, s18  }
0xa2: {  	s7 =	simm.s32 $0x0;
	s20 =	sshll.u32 s5, $0x1;
	s5 =	sadd.s32 s21, s3  }
0xa3: {  	[timem:s7], [sflag:s22] =	dma.local [hbm:s5], s20  }
0xa4: {  	_ =	swait.ge [sflag:s22], s20  }
0xa5: {  	s4 =	ssub.s32 $0x0, s20;
	[sflag:s22] =	ssyncset.done $0x0  }
0xa6: {  	[sflag:s22] =	ssyncadd.s32 s4;
	_ =	sdelay $0x1  }
0xa7: {  	s23 =	simm.s32 $0x1B8B  }
0xa8: {  	_ =	swait.ge [sflag:s23], $0x1  }
0xa9: {  	[sflag:s23] =	ssyncset.done $0x0  }
0xaa: {  	s25 =	simm.s32 $0x1B8E;
	s24 =	sld [smem:$0x3FFE];
	[sflag:s23] =	ssyncadd.s32 $0xFFFFFFFF  }
0xab: {  	s26 =	simm.s32 $execute0_lowered;
	[smem:$0x3FD2] =	sst s25  }
0xac: {  	s5 =	sshll.u32 s26, $0x1;
	_ =	strace $0x80000046;
	[dreg:$0x1] =	wrdreg $0xFFFFFFFF  }
0xad: {  	s28 =	simm.s32 $_size_execute0_lowered;
	s3 =	sadd.s32 s3, s5;
	[dreg:$0x0] =	wrdreg $0x0  }
0xae: {  	s5 =	sshll.u32 s28, $0x1;
	[dreg:$0x2] =	wrdreg s3  }
0xaf: {  	[dreg:$0x3] =	wrdreg s5  }
0xb0: {  	[dreg:$0x4] =	wrdreg $0xC0  }
0xb1: {  	_ =	task [dreg:s7], $0x5FFFF  }
0xb2: {  	[dreg:$0x1] =	wrdreg $0xFFFFFFFF  }
0xb3: {  	[dreg:$0x0] =	wrdreg $0x60  }
0xb4: {  	[dreg:$0x2] =	wrdreg s24  }
0xb5: {  	[dreg:$0x3] =	wrdreg s16  }
0xb6: {  	[dreg:$0x4] =	wrdreg $0x40800  }
0xb7: {  	[dreg:$0x5] =	wrdreg $0x9  }
0xb8: {  	_ =	task.clear_ibuf [dreg:s7], $0x6FFFF;
	_ =	strace $0x90000046  }
0xb9: {  	s29 =	simm.s32 $0x9;
	_ =	strace $0x80000048  }
0xba: {  	_ =	swait.ge [sflag:s29], $0x1  }
0xbb: {  	[sflag:s29] =	ssyncadd.s32 $0xFFFFFFFF  }
0xbc: {  	_ =	strace $0x90000048  }
0xbd: {  	_ =	sfence  }
0xbe: {  	s30 =	sld [smem:$0x0];
	_ =	sdelay $0x2  }
0xbf: {  	s31 =	sshll.u32 s1, $0xD;
	s1 =	sshrl.u32 s1, $0x2  }
0xc0: {  	s3 =	sand.u32 $0x4000, s31;
	s1 =	sadd.s32 s1, s30  }
0xc1: {  	s0 =	sor.u32 s3, s0;
	s1 =	sshll.u32 s1, $0x11  }
0xc2: {  	s0 =	sor.u32 s1, s0  }
0xc3: {  	s0 =	sadd.s32 $0x8F2B, s0  }
0xc4: {  	[sflag:s0] =	ssyncadd.remote.s32 $0x1  }
0xc5: {  	_ =	sfence.sel $0xFFFF  }
0xc6: {  	[dreg:$0x0] =	wrdreg $0xFFFFFFFF;
	(pc) =	sbr.abs _section_cstart, $3  }
0xc7: {  	[dreg:$0x1] =	wrdreg $0xFFFFFFFF  }
0xc8: {  	_ =	task.clear_ibuf [dreg:s7], $0x2FFFF;
	_ =	strace $0x9FFFFFFF  }
0xc9: {  	(tm) =	ssettm $0x7FFFFFFF  }
tec
execute0_lowered:
.L_overlay_start_1:
0x0: {  	(tag) =	ssettag $0x1  }
0x1: {  	s5 =	rddreg [dreg:$0x0]  }
0x2: {  	s6 =	rddreg [dreg:$0x1];
	s1 =	stileid.u32  }
0x3: {  	s0 =	srdreg.scid;
	s8 =	smul.u32 $0x14000, s1  }
0x4: {  	s2 =	rddreg [dreg:$0x2];
	s3 =	simm.s32 $0x0;
	s11 =	smul.u32 $0x50000, s1  }
0x5: {  	s7 =	sand.u32 $0x1, s0;
	s0 =	rddreg [dreg:$0x3];
	s12 =	smul.u32 $0x280, s1  }
0x6: {  	[smem:$0x7FF] =	sst s3;
	s4 =	smul.u32 $0x2800, s7  }
0x7: {  	s31 =	sshll.u32 s1, $0x6;
	s9 =	smul.u32 $0x140000, s7;
	s7 =	ssub.s32 $0x2, s7  }
0x8: {  	_ =	strace $0x80000047;
	s28 =	sshrl.u32 s7, $0x1;
	s29 =	sshrl.u32 s11, $0x2  }
0x9: {  	s11 =	sor.u32 $0x1C01, s31;
	s10 =	sadd.s32 s4, s5;
	s4 =	sadd.s32 $0x7E00, s5  }
0xa: {  	s9 =	sadd.s32 s8, s9;
	s7 =	ssub.s32 s7, s28;
	s8 =	sshrl.u32 s8, $0x3  }
0xb: {  	s13 =	sadd.s32 s29, s2;
	s9 =	sshrl.u32 s9, $0x3;
	s30 =	sadd.s32 s12, s10  }
0xc: {  	s7 =	smax.u32 s7, $0x1;
	s10 =	simm.s32 $0x1;
	s12 =	sshrl.u32 s13, $0x3  }
0xd: {  	s13 =	simm.s32 $0x0;
	s9 =	sadd.s32 s9, s5;
	s5 =	sadd.s32 s6, s8  }
0xe: {  	s8 =	sadd.s32 $0x2E00, s30;
	s6 =	sadd.s32 $0x8600, s9;
	s9 =	simm.s32 $0x80  }
.LBB2_1:
0xf: {  	[tilespmem:s9], [sflag:$0x1] =	stream.linear.gather [hbm4b:s4+s3], $0x4000, $0x38;
	[tilespmem:$0x6880] =	vst v63  }
0x10: {  	_ =	swait.ge [sflag:s10], $0x4000  }
0x11: {  	[sflag:s10] =	ssyncset.done $0x0  }
0x12: {  	[sflag:s10] =	ssyncadd.s32 $0xFFFFC000  }
0x13: {  	[spmem:s12], [sflag:s11] =	dma.local [hbm:s5], $0x2800  }
0x14: {  	_ =	swait.ge [sflag:s10], $0x2800  }
0x15: {  	[sflag:s10] =	ssyncset.done $0x0  }
0x16: {  	[sflag:s10] =	ssyncadd.s32 $0xFFFFD800  }
0x17: {  	s14 =	sadd.s32 $0x0, s8;
	[bflag:$0x0] =	sbarrier.arrive $0xFFFF  }
0x18: {  	[tilespmem:s3], [sflag:$0x1] =	stream.linear.gather [hbm4b:s14+s3], $0x80, $0x38;
	[tilespmem:$0x6880] =	vst v63  }
0x19: {  	_ =	swait.ge [sflag:s10], $0x80  }
0x1a: {  	[sflag:s10] =	ssyncset.done $0x0  }
0x1b: {  	[sflag:s10] =	ssyncadd.s32 $0xFFFFFF80  }
0x1c: {  	[spmem:s2] =	stream.indirect.scatter.add.f32 [tilespmem:s9], [sflag:$0x1], $0x10, s3, s9, $0xb8;
	[tilespmem:$0x6880] =	vst v63  }
0x1d: {  	_ =	swait.ge [sflag:s10], $0x800  }
0x1e: {  	s15 =	simm.s32 $0x20;
	s14 =	simm.s32 $0x10;
	[sflag:s10] =	ssyncset.done $0x0  }
.LBB2_2:
0x1f: {  	s16 =	sadd.s32 s14, s8  }
0x20: {  	[sflag:s10] =	ssyncadd.s32 $0xFFFFF800;
	s14 =	smov.u32 s15;
	s17 =	sadd.s32 $0x10, s15  }
0x21: {  	[tilespmem:s3], [sflag:$0x1] =	stream.linear.gather [hbm4b:s16+s3], $0x80, $0x38;
	[tilespmem:$0x6880] =	vst v63  }
0x22: {  	p0 =	sne.s32 s15, $0x270;
	_ =	swait.ge [sflag:s10], $0x80  }
.Ltmp0:
0x23: {  	[sflag:s10] =	ssyncset.done $0x0;
	(pc) =	sbr.rel @p0 .LBB2_2-.Ltmp0, $4  }
0x24: {  	[sflag:s10] =	ssyncadd.s32 $0xFFFFFF80  }
0x25: {  	[spmem:s2] =	stream.indirect.scatter.add.f32 [tilespmem:s9], [sflag:$0x1], $0x10, s3, s9, $0xb8;
	[tilespmem:$0x6880] =	vst v63  }
0x26: {  	_ =	swait.ge [sflag:s10], $0x800  }
0x27: {  	s15 =	smov.u32 s17;
	[sflag:s10] =	ssyncset.done $0x0  }
0x28: {  	s14 =	sadd.s32 s14, s8;
	[sflag:s10] =	ssyncadd.s32 $0xFFFFF800  }
0x29: {  	[tilespmem:s3], [sflag:$0x1] =	stream.linear.gather [hbm4b:s14+s3], $0x80, $0x38;
	[tilespmem:$0x6880] =	vst v63  }
0x2a: {  	_ =	swait.ge [sflag:s10], $0x80  }
0x2b: {  	[sflag:s10] =	ssyncset.done $0x0  }
0x2c: {  	[sflag:s10] =	ssyncadd.s32 $0xFFFFFF80  }
0x2d: {  	[spmem:s2] =	stream.indirect.scatter.add.f32 [tilespmem:s9], [sflag:$0x1], $0x10, s3, s9, $0xb8;
	[tilespmem:$0x6880] =	vst v63  }
0x2e: {  	_ =	swait.ge [sflag:s10], $0x800  }
0x2f: {  	s13 =	sadd.s32 $0x1, s13;
	[sflag:s10] =	ssyncset.done $0x0  }
0x30: {  	p0 =	sne.s32 s13, s7;
	[sflag:s10] =	ssyncadd.s32 $0xFFFFF800  }
.Ltmp1:
0x31: {  	[bflag:$0x0] =	sbarrier.arrive $0xFFFF;
	(pc) =	sbr.rel @p0 .LBB2_1-.Ltmp1, $4  }
0x32: {  	[hbm:s6], [sflag:s11] =	dma.local [spmem:s12], $0x2800  }
0x33: {  	_ =	swait.ge [sflag:s10], $0x2800  }
0x34: {  	[sflag:s10] =	ssyncset.done $0x0  }
0x35: {  	[sflag:s10] =	ssyncadd.s32 $0xFFFFD800  }
0x36: {  	_ =	sfence.sel $0x180000  }
0x37: {  	[bflag:$0x0] =	sbarrier.arrive $0xFFFF  }
0x38: {  	p0 =	sne.s32 s1, $0x0;
	_ =	strace $0x90000047  }
0x39: {  	s0 =	sadd.s32 @!p0 $0x100000, s0;
	[bflag:$0x2] =	sbarrier.arrive $0xFFFF  }
0x3a: {  	[sflag:s0] =	ssyncadd.tile.s32 @!p0 $0x1;
	_ =	shalt  }
.Lfunc_end2:
_tile_overlayer_lowered:
.L_overlay_start_2:
0x3b: {  	(tag) =	ssettag $0x2  }
0x3c: {  	s0 =	rddreg [dreg:$0x0];
	s2 =	stileid.u32  }
0x3d: {  	s1 =	rddreg [dreg:$0x1];
	p0 =	sne.s32 s2, $0x0  }
0x3e: {  	s3 =	rddreg [dreg:$0x2];
	[bflag:$0x3] =	sbarrier.arrive $0xFFFF;
	s2 =	simm.s32 @!p0 $0x1C01  }
0x3f: {  	[timem:s3], [sflag:s2] =	dma.local @!p0 [hbm:s0], s1  }
0x40: {  	s0 =	simm.s32 @!p0 $0x1  }
0x41: {  	_ =	swait.ge @!p0 [sflag:s0], s1  }
0x42: {  	s1 =	ssub.s32 @!p0 $0x0, s1;
	[sflag:s0] =	ssyncset.done @!p0 $0x0  }
0x43: {  	[sflag:s0] =	ssyncadd.s32 @!p0 s1  }
0x44: {  	[bflag:$0x3] =	sbarrier.arrive $0xFFFF  }
0x45: {  	_ =	shalt  }

</sc_bundles>
